<compile_context>
chip_gen: v7x
topology: tpu7x:2x2x1
jax: 0.10.2.dev20260603
libtpu: 0.0.44.dev20260713+nightly
codegen_flags: <defaults>
</compile_context>

<pallas_src>
import functools

import jax
import jax.numpy as jnp
from jax import lax
from jax.experimental import pallas as pl
from jax.experimental.pallas import tpu as pltpu
from jax.experimental.pallas import tpu_sc as plsc

BATCH = 16384
EMB = 16
NUM_NUM = 16
UNITS = 128
GCOLS = 3 * (EMB + 1)

_NC = 2
_NS = 16
_NW = _NC * _NS
_L = 16
_NCHUNK = 1
_CB = BATCH // _NCHUNK
_BPW = _CB // _NW
_IPR = _BPW // 128

_N0, _N1, _N2 = 1000, 8, 16
_OFF_E = (0, _N0 * EMB, (_N0 + _N1) * EMB)
_OFF_B = ((_N0 + _N1 + _N2) * EMB,
          (_N0 + _N1 + _N2) * EMB + _N0,
          (_N0 + _N1 + _N2) * EMB + _N0 + _N1)
_TROWS = ((_N0 + _N1 + _N2) * (EMB + 1) + 127) // 128


def _sc_gather_body(idx_hbm, tt, g_hbm, idx_v, ttv, g_v):
    wid = lax.axis_index("s") * _NC + lax.axis_index("c")
    pltpu.sync_copy(idx_hbm.at[wid], idx_v)
    pltpu.sync_copy(tt, ttv)

    def chunk(k, carry):
        kk = lax.shift_right_logical(k, 3)
        off = lax.bitwise_and(k, 7) * _L
        for t in range(3):
            row0 = t * EMB
            iv = idx_v[t * _IPR + kk, pl.ds(off, _L)]
            lin = iv * EMB + _OFF_E[t]
            hi = lax.shift_right_logical(lin, 7)
            lo = lax.bitwise_and(lin, 127)
            for j in range(EMB):
                vals = plsc.load_gather(ttv, [hi, lo + j])
                g_v[row0 + j, pl.ds(k * _L, _L)] = vals
            fb = iv + _OFF_B[t]
            bvals = plsc.load_gather(
                ttv, [lax.shift_right_logical(fb, 7),
                      lax.bitwise_and(fb, 127)])
            g_v[3 * EMB + t, pl.ds(k * _L, _L)] = bvals
        return carry

    lax.fori_loop(0, _BPW // _L, chunk, 0)

    pltpu.sync_copy(g_v, g_hbm.at[:, pl.ds(wid * _BPW, _BPW)])


def _sc_gather(idxw, tt):
    mesh = plsc.VectorSubcoreMesh(core_axis_name="c", subcore_axis_name="s")
    f = functools.partial(
        pl.kernel,
        mesh=mesh,
        out_type=jax.ShapeDtypeStruct((GCOLS, _CB), jnp.float32),
        scratch_types=[
            pltpu.VMEM((3 * _IPR, 128), jnp.int32),
            pltpu.VMEM((_TROWS, 128), jnp.float32),
            pltpu.VMEM((GCOLS, _BPW), jnp.float32),
        ],
        compiler_params=pltpu.CompilerParams(needs_layout_passes=False),
    )(_sc_gather_body)
    return f(idxw, tt)


def _mlp_body(inp_ref, g_ref, w1, c1, w2, c2, w3, c3, w4, c4, w5, c5,
              out_ref):
    dot = functools.partial(jnp.dot, preferred_element_type=jnp.float32)
    num = inp_ref[:, 3:3 + NUM_NUM]
    w1e = w1[0:3 * EMB, :]
    w1s = jnp.sum(w1e, axis=0, keepdims=True)
    a1 = jnp.concatenate([w1e, w1s, w1s, w1s], axis=0)
    h = lax.dot_general(g_ref[...], a1, (((0,), (0,)), ((), ())),
                        preferred_element_type=jnp.float32)
    h = h + dot(num, w1[3 * EMB:, :]) + c1[...]
    h = jnp.maximum(h, 0.0)
    h = jnp.maximum(dot(h, w2[...]) + c2[...], 0.0)
    h = jnp.maximum(dot(h, w3[...]) + c3[...], 0.0)
    h = jnp.maximum(dot(h, w4[...]) + c4[...], 0.0)
    logits = dot(h, w5[...]) + c5[...]
    m = jnp.max(logits, axis=-1, keepdims=True)
    e = jnp.exp(logits - m)
    out_ref[...] = e / jnp.sum(e, axis=-1, keepdims=True)


def _full(shape):
    return pl.BlockSpec(shape, lambda i: (0, 0))


def _mlp(inputs, g, w1, c1, w2, c2, w3, c3, w4, c4, w5, c5, block_b):
    nlab = w5.shape[1]
    nb = inputs.shape[0]
    grid = (nb // block_b,)
    in_specs = [
        pl.BlockSpec((block_b, inputs.shape[1]), lambda i: (i, 0)),
        pl.BlockSpec((GCOLS, block_b), lambda i: (0, i)),
        _full(w1.shape), _full(c1.shape),
        _full(w2.shape), _full(c2.shape), _full(w3.shape), _full(c3.shape),
        _full(w4.shape), _full(c4.shape), _full(w5.shape), _full(c5.shape),
    ]
    return pl.pallas_call(
        _mlp_body,
        grid=grid,
        in_specs=in_specs,
        out_specs=pl.BlockSpec((block_b, nlab), lambda i: (i, 0)),
        out_shape=jax.ShapeDtypeStruct((nb, nlab), jnp.float32),
        compiler_params=pltpu.CompilerParams(
            dimension_semantics=("arbitrary",)),
    )(inputs, g, w1, c1, w2, c2, w3, c3, w4, c4, w5, c5)


def kernel(inputs, speed_emb, speed_bias, oneway_emb, oneway_bias, lane_emb,
           lane_bias, W1, b1, W2, b2, W3, b3, W4, b4, W5, b5):
    idx3 = inputs[:, 0:3].astype(jnp.int32)
    idxw = (idx3.reshape(_NCHUNK, _CB, 3).transpose(0, 2, 1)
            .reshape(_NCHUNK, 3, _NW, _IPR, 128)
            .transpose(0, 2, 1, 3, 4).reshape(_NCHUNK, _NW, 3 * _IPR, 128))

    flat = jnp.concatenate([
        speed_emb.reshape(-1), oneway_emb.reshape(-1), lane_emb.reshape(-1),
        speed_bias.reshape(-1), oneway_bias.reshape(-1),
        lane_bias.reshape(-1)])
    tt = jnp.pad(flat, (0, _TROWS * 128 - flat.shape[0])).reshape(_TROWS, 128)

    outs = []
    for q in range(_NCHUNK):
        g = _sc_gather(idxw[q], tt)
        outs.append(_mlp(
            lax.slice_in_dim(inputs, q * _CB, (q + 1) * _CB), g, W1,
            b1.reshape(1, -1), W2, b2.reshape(1, -1),
            W3, b3.reshape(1, -1), W4, b4.reshape(1, -1),
            W5, b5.reshape(1, -1), block_b=min(4096, _CB)))
    return outs[0] if _NCHUNK == 1 else jnp.concatenate(outs, axis=0)

# --- scband reference (transcript-rebuilt; emitter-appended) ---
"""Pipeline reference for scband-dnne-65609920414436 (READ-ONLY COPY).

The authoritative reference and input builder live on the scoring server;
editing this copy changes nothing except your own understanding.
"""

import jax, jax.numpy as jnp
import numpy as np

NUM_SPEED = 1000
NUM_ONEWAY = 8
NUM_LANE = 16
EMB = 16
UNITS = 128
NUM_LABEL = 8
NUM_NUM = 16
BATCH = 16384
IN_DIM = EMB * 3 + NUM_NUM


def setup_inputs(seed: int = 0) -> dict:
    key = jax.random.key(seed)
    ks = jax.random.split(key, 20)
    idx0 = jax.random.randint(ks[0], (BATCH,), 0, NUM_SPEED)
    idx1 = jax.random.randint(ks[1], (BATCH,), 0, NUM_ONEWAY)
    idx2 = jax.random.randint(ks[2], (BATCH,), 0, NUM_LANE)
    num = jax.random.normal(ks[3], (BATCH, NUM_NUM), dtype=jnp.float32)
    inputs = jnp.concatenate([
        idx0[:, None].astype(jnp.float32),
        idx1[:, None].astype(jnp.float32),
        idx2[:, None].astype(jnp.float32),
        num,
    ], axis=1)
    speed_emb = jax.random.normal(ks[4], (NUM_SPEED, EMB), dtype=jnp.float32) * 0.05
    speed_bias = jax.random.normal(ks[5], (NUM_SPEED, 1), dtype=jnp.float32) * 0.05
    oneway_emb = jax.random.normal(ks[6], (NUM_ONEWAY, EMB), dtype=jnp.float32) * 0.05
    oneway_bias = jax.random.normal(ks[7], (NUM_ONEWAY, 1), dtype=jnp.float32) * 0.05
    lane_emb = jax.random.normal(ks[8], (NUM_LANE, EMB), dtype=jnp.float32) * 0.05
    lane_bias = jax.random.normal(ks[9], (NUM_LANE, 1), dtype=jnp.float32) * 0.05
    W1 = jax.random.normal(ks[10], (IN_DIM, UNITS), dtype=jnp.float32) * 0.05
    b1 = jnp.zeros((UNITS,), dtype=jnp.float32)
    W2 = jax.random.normal(ks[11], (UNITS, UNITS // 4), dtype=jnp.float32) * 0.05
    b2 = jnp.zeros((UNITS // 4,), dtype=jnp.float32)
    W3 = jax.random.normal(ks[12], (UNITS // 4, UNITS // 8), dtype=jnp.float32) * 0.05
    b3 = jnp.zeros((UNITS // 8,), dtype=jnp.float32)
    W4 = jax.random.normal(ks[13], (UNITS // 8, UNITS // 16), dtype=jnp.float32) * 0.05
    b4 = jnp.zeros((UNITS // 16,), dtype=jnp.float32)
    W5 = jax.random.normal(ks[14], (UNITS // 16, NUM_LABEL), dtype=jnp.float32) * 0.05
    b5 = jnp.zeros((NUM_LABEL,), dtype=jnp.float32)
    return {
        "inputs": inputs,
        "speed_emb": speed_emb, "speed_bias": speed_bias,
        "oneway_emb": oneway_emb, "oneway_bias": oneway_bias,
        "lane_emb": lane_emb, "lane_bias": lane_bias,
        "W1": W1, "b1": b1, "W2": W2, "b2": b2,
        "W3": W3, "b3": b3, "W4": W4, "b4": b4,
        "W5": W5, "b5": b5,
    }


def reference(inputs, speed_emb, speed_bias, oneway_emb, oneway_bias, lane_emb, lane_bias,
              W1, b1, W2, b2, W3, b3, W4, b4, W5, b5):
    i0 = inputs[:, 0].astype(jnp.int32)
    i1 = inputs[:, 1].astype(jnp.int32)
    i2 = inputs[:, 2].astype(jnp.int32)
    # embedding lookups (gather) + flatten (input_length=1 -> identity)
    v0 = jnp.take(speed_emb, i0, axis=0)
    v1 = jnp.take(oneway_emb, i1, axis=0)
    v2 = jnp.take(lane_emb, i2, axis=0)
    b0v = jnp.take(speed_bias, i0, axis=0)
    b1v = jnp.take(oneway_bias, i1, axis=0)
    b2v = jnp.take(lane_bias, i2, axis=0)
    combined = jnp.concatenate([v0, v1, v2], axis=1) + b0v + b1v + b2v
    numerical = inputs[:, 3:]
    full = jnp.concatenate([combined, numerical], axis=1)
    h = jax.nn.relu(full @ W1 + b1)
    h = jax.nn.relu(h @ W2 + b2)  # dropout is identity at inference
    h = jax.nn.relu(h @ W3 + b3)
    h = jax.nn.relu(h @ W4 + b4)
    y = jax.nn.softmax(h @ W5 + b5, axis=-1)
    return y

if __name__ == "__main__":
    import jax
    _d = setup_inputs()
    print(jax.jit(kernel)(*tuple(_d.values())))

</pallas_src>

<mosaic_0001>
#map = affine_map<(d0, d1) -> (0, 0, 0)>
#map1 = affine_map<(d0, d1) -> (0, 0)>
module attributes {stable_mosaic.version = 14 : i64} {
  func.func @_sc_gather_body(%arg0: i32, %arg1: i32, %arg2: memref<32x12x128xi32, #tpu.memory_space<hbm>>, %arg3: memref<136x128xf32, #tpu.memory_space<hbm>>, %arg4: memref<51x16384xf32, #tpu.memory_space<hbm>>, %arg5: memref<12x128xi32, #tpu.memory_space<vmem>>, %arg6: memref<136x128xf32, #tpu.memory_space<vmem>>, %arg7: memref<51x512xf32, #tpu.memory_space<vmem>>) attributes {dimension_semantics = [#tpu.dimension_semantics<core_parallel>, #tpu.dimension_semantics<subcore_parallel>], iteration_bounds = array<i64: 2, 16>, scalar_prefetch = 0 : i64, scratch_operands = 3 : i64, tpu.core_type = #tpu.core_type<sc_vector_subcore>, window_params = [{transform_indices = #map}, {transform_indices = #map1}, {transform_indices = #map1}]} {
    %mul3A = arith.constant 2 : i32
    %mul3A_0 = arith.muli %arg1, %mul3A : i32
    %add3A = arith.addi %mul3A_0, %arg0 : i32
    "tpu.region"() ({
      %run_scoped3A = tpu.sem_alloc : memref<!tpu.dma_semaphore, #tpu.memory_space<semaphore_mem>>
      %dma_start3A = arith.constant 0 : i32
      %dma_start3A_8 = arith.constant 0 : i32
      %dma_start3A_9 = tpu.memref_slice %arg2[%add3A, %dma_start3A, %dma_start3A_8] : memref<32x12x128xi32, #tpu.memory_space<hbm>> -> memref<1x12x128xi32, #tpu.memory_space<hbm>>
      %dma_start3A_10 = tpu.memref_squeeze %dma_start3A_9 : memref<1x12x128xi32, #tpu.memory_space<hbm>> -> memref<12x128xi32, #tpu.memory_space<hbm>>
      %dma_start3A_11 = arith.constant 0 : i32
      %dma_start3A_12 = arith.constant 0 : i32
      %dma_start3A_13 = tpu.memref_slice %arg2[%add3A, %dma_start3A_11, %dma_start3A_12] : memref<32x12x128xi32, #tpu.memory_space<hbm>> -> memref<1x12x128xi32, #tpu.memory_space<hbm>>
      %dma_start3A_14 = tpu.memref_squeeze %dma_start3A_13 : memref<1x12x128xi32, #tpu.memory_space<hbm>> -> memref<12x128xi32, #tpu.memory_space<hbm>>
      tpu.enqueue_dma source(%dma_start3A_14 : memref<12x128xi32, #tpu.memory_space<hbm>>) target(%arg5 : memref<12x128xi32, #tpu.memory_space<vmem>>) target_semaphore(%run_scoped3A : memref<!tpu.dma_semaphore, #tpu.memory_space<semaphore_mem>>)
      %dma_wait3A = arith.constant 0 : i32
      %dma_wait3A_15 = arith.constant 0 : i32
      %dma_wait3A_16 = tpu.memref_slice %arg2[%add3A, %dma_wait3A, %dma_wait3A_15] : memref<32x12x128xi32, #tpu.memory_space<hbm>> -> memref<1x12x128xi32, #tpu.memory_space<hbm>>
      %dma_wait3A_17 = tpu.memref_squeeze %dma_wait3A_16 : memref<1x12x128xi32, #tpu.memory_space<hbm>> -> memref<12x128xi32, #tpu.memory_space<hbm>>
      %dma_wait3A_18 = arith.constant 0 : i32
      %dma_wait3A_19 = arith.constant 0 : i32
      %dma_wait3A_20 = tpu.memref_slice %arg2[%add3A, %dma_wait3A_18, %dma_wait3A_19] : memref<32x12x128xi32, #tpu.memory_space<hbm>> -> memref<1x12x128xi32, #tpu.memory_space<hbm>>
      %dma_wait3A_21 = tpu.memref_squeeze %dma_wait3A_20 : memref<1x12x128xi32, #tpu.memory_space<hbm>> -> memref<12x128xi32, #tpu.memory_space<hbm>>
      tpu.wait_dma2 semaphore(%run_scoped3A : memref<!tpu.dma_semaphore, #tpu.memory_space<semaphore_mem>>) src(%dma_wait3A_21 : memref<12x128xi32, #tpu.memory_space<hbm>>) dst(%arg5 : memref<12x128xi32, #tpu.memory_space<vmem>>)
      tpu.yield
    }) : () -> ()
    "tpu.region"() ({
      %run_scoped3A = tpu.sem_alloc : memref<!tpu.dma_semaphore, #tpu.memory_space<semaphore_mem>>
      tpu.enqueue_dma source(%arg3 : memref<136x128xf32, #tpu.memory_space<hbm>>) target(%arg6 : memref<136x128xf32, #tpu.memory_space<vmem>>) target_semaphore(%run_scoped3A : memref<!tpu.dma_semaphore, #tpu.memory_space<semaphore_mem>>)
      tpu.wait_dma2 semaphore(%run_scoped3A : memref<!tpu.dma_semaphore, #tpu.memory_space<semaphore_mem>>) src(%arg3 : memref<136x128xf32, #tpu.memory_space<hbm>>) dst(%arg6 : memref<136x128xf32, #tpu.memory_space<vmem>>)
      tpu.yield
    }) : () -> ()
    %scan3A = arith.constant 0 : i32
    %scan3A_1 = arith.constant 0 : i32
    %scan3A_2 = arith.constant 32 : i32
    %scan3A_3 = arith.addi %scan3A_1, %scan3A_2 : i32
    %scan3A_4 = arith.constant 1 : i32
    scf.for %scan3A_8 = %scan3A_1 to %scan3A_3 step %scan3A_4  : i32 {
      %shift_right_logical3A = arith.constant 3 : i32
      %shift_right_logical3A_9 = arith.shrui %scan3A_8, %shift_right_logical3A : i32
      %and3A = arith.constant 7 : i32
      %and3A_10 = arith.andi %scan3A_8, %and3A : i32
      %mul3A_11 = arith.constant 16 : i32
      %mul3A_12 = arith.muli %and3A_10, %mul3A_11 : i32
      %add3A_13 = arith.constant 0 : i32
      %add3A_14 = arith.addi %add3A_13, %shift_right_logical3A_9 : i32
      %get3A = arith.index_cast %add3A_14 : i32 to index
      %get3A_15 = arith.index_cast %mul3A_12 : i32 to index
      %get3A_16 = tpu.vector_load %arg5[%get3A, %get3A_15] {strides = array<i32>} : memref<12x128xi32, #tpu.memory_space<vmem>>, vector<16xi32>,
      %mul3A_17 = arith.constant 16 : i32
      %mul3A_18 = vector.broadcast %mul3A_17 : i32 to vector<16xi32>
      %mul3A_19 = arith.muli %get3A_16, %mul3A_18 : vector<16xi32>
      %add3A_20 = arith.constant 0 : i32
      %add3A_21 = vector.broadcast %add3A_20 : i32 to vector<16xi32>
      %add3A_22 = arith.addi %mul3A_19, %add3A_21 : vector<16xi32>
      %shift_right_logical3A_23 = arith.constant 7 : i32
      %shift_right_logical3A_24 = vector.broadcast %shift_right_logical3A_23 : i32 to vector<16xi32>
      %shift_right_logical3A_25 = arith.shrui %add3A_22, %shift_right_logical3A_24 : vector<16xi32>
      %and3A_26 = arith.constant 127 : i32
      %and3A_27 = vector.broadcast %and3A_26 : i32 to vector<16xi32>
      %and3A_28 = arith.andi %add3A_22, %and3A_27 : vector<16xi32>
      %add3A_29 = arith.constant 0 : i32
      %add3A_30 = vector.broadcast %add3A_29 : i32 to vector<16xi32>
      %add3A_31 = arith.addi %and3A_28, %add3A_30 : vector<16xi32>
      %gather3A = tpu.vector_load_idx %arg6[%shift_right_logical3A_25, %add3A_31] : memref<136x128xf32, #tpu.memory_space<vmem>>[vector<16xi32>, vector<16xi32>], vector<16xf32>,
      %mul3A_32 = arith.constant 16 : i32
      %mul3A_33 = arith.muli %scan3A_8, %mul3A_32 : i32
      %swap3A = arith.constant 0 : i32
      %swap3A_34 = arith.index_cast %swap3A : i32 to index
      %swap3A_35 = arith.index_cast %mul3A_33 : i32 to index
      %swap3A_36 = tpu.vector_load %arg7[%swap3A_34, %swap3A_35] {strides = array<i32>} : memref<51x512xf32, #tpu.memory_space<vmem>>, vector<16xf32>,
      tpu.vector_store %arg7[%swap3A_34, %swap3A_35], %gather3A {strides = array<i32>} : memref<51x512xf32, #tpu.memory_space<vmem>>, vector<16xf32>,
      %add3A_37 = arith.constant 1 : i32
      %add3A_38 = vector.broadcast %add3A_37 : i32 to vector<16xi32>
      %add3A_39 = arith.addi %and3A_28, %add3A_38 : vector<16xi32>
      %gather3A_40 = tpu.vector_load_idx %arg6[%shift_right_logical3A_25, %add3A_39] : memref<136x128xf32, #tpu.memory_space<vmem>>[vector<16xi32>, vector<16xi32>], vector<16xf32>,
      %mul3A_41 = arith.constant 16 : i32
      %mul3A_42 = arith.muli %scan3A_8, %mul3A_41 : i32
      %swap3A_43 = arith.constant 1 : i32
      %swap3A_44 = arith.index_cast %swap3A_43 : i32 to index
      %swap3A_45 = arith.index_cast %mul3A_42 : i32 to index
      %swap3A_46 = tpu.vector_load %arg7[%swap3A_44, %swap3A_45] {strides = array<i32>} : memref<51x512xf32, #tpu.memory_space<vmem>>, vector<16xf32>,
      tpu.vector_store %arg7[%swap3A_44, %swap3A_45], %gather3A_40 {strides = array<i32>} : memref<51x512xf32, #tpu.memory_space<vmem>>, vector<16xf32>,
      %add3A_47 = arith.constant 2 : i32
      %add3A_48 = vector.broadcast %add3A_47 : i32 to vector<16xi32>
      %add3A_49 = arith.addi %and3A_28, %add3A_48 : vector<16xi32>
      %gather3A_50 = tpu.vector_load_idx %arg6[%shift_right_logical3A_25, %add3A_49] : memref<136x128xf32, #tpu.memory_space<vmem>>[vector<16xi32>, vector<16xi32>], vector<16xf32>,
      %mul3A_51 = arith.constant 16 : i32
      %mul3A_52 = arith.muli %scan3A_8, %mul3A_51 : i32
      %swap3A_53 = arith.constant 2 : i32
      %swap3A_54 = arith.index_cast %swap3A_53 : i32 to index
      %swap3A_55 = arith.index_cast %mul3A_52 : i32 to index
      %swap3A_56 = tpu.vector_load %arg7[%swap3A_54, %swap3A_55] {strides = array<i32>} : memref<51x512xf32, #tpu.memory_space<vmem>>, vector<16xf32>,
      tpu.vector_store %arg7[%swap3A_54, %swap3A_55], %gather3A_50 {strides = array<i32>} : memref<51x512xf32, #tpu.memory_space<vmem>>, vector<16xf32>,
      %add3A_57 = arith.constant 3 : i32
      %add3A_58 = vector.broadcast %add3A_57 : i32 to vector<16xi32>
      %add3A_59 = arith.addi %and3A_28, %add3A_58 : vector<16xi32>
      %gather3A_60 = tpu.vector_load_idx %arg6[%shift_right_logical3A_25, %add3A_59] : memref<136x128xf32, #tpu.memory_space<vmem>>[vector<16xi32>, vector<16xi32>], vector<16xf32>,
      %mul3A_61 = arith.constant 16 : i32
      %mul3A_62 = arith.muli %scan3A_8, %mul3A_61 : i32
      %swap3A_63 = arith.constant 3 : i32
      %swap3A_64 = arith.index_cast %swap3A_63 : i32 to index
      %swap3A_65 = arith.index_cast %mul3A_62 : i32 to index
      %swap3A_66 = tpu.vector_load %arg7[%swap3A_64, %swap3A_65] {strides = array<i32>} : memref<51x512xf32, #tpu.memory_space<vmem>>, vector<16xf32>,
      tpu.vector_store %arg7[%swap3A_64, %swap3A_65], %gather3A_60 {strides = array<i32>} : memref<51x512xf32, #tpu.memory_space<vmem>>, vector<16xf32>,
      %add3A_67 = arith.constant 4 : i32
      %add3A_68 = vector.broadcast %add3A_67 : i32 to vector<16xi32>
      %add3A_69 = arith.addi %and3A_28, %add3A_68 : vector<16xi32>
      %gather3A_70 = tpu.vector_load_idx %arg6[%shift_right_logical3A_25, %add3A_69] : memref<136x128xf32, #tpu.memory_space<vmem>>[vector<16xi32>, vector<16xi32>], vector<16xf32>,
      %mul3A_71 = arith.constant 16 : i32
      %mul3A_72 = arith.muli %scan3A_8, %mul3A_71 : i32
      %swap3A_73 = arith.constant 4 : i32
      %swap3A_74 = arith.index_cast %swap3A_73 : i32 to index
      %swap3A_75 = arith.index_cast %mul3A_72 : i32 to index
      %swap3A_76 = tpu.vector_load %arg7[%swap3A_74, %swap3A_75] {strides = array<i32>} : memref<51x512xf32, #tpu.memory_space<vmem>>, vector<16xf32>,
      tpu.vector_store %arg7[%swap3A_74, %swap3A_75], %gather3A_70 {strides = array<i32>} : memref<51x512xf32, #tpu.memory_space<vmem>>, vector<16xf32>,
      %add3A_77 = arith.constant 5 : i32
      %add3A_78 = vector.broadcast %add3A_77 : i32 to vector<16xi32>
      %add3A_79 = arith.addi %and3A_28, %add3A_78 : vector<16xi32>
      %gather3A_80 = tpu.vector_load_idx %arg6[%shift_right_logical3A_25, %add3A_79] : memref<136x128xf32, #tpu.memory_space<vmem>>[vector<16xi32>, vector<16xi32>], vector<16xf32>,
      %mul3A_81 = arith.constant 16 : i32
      %mul3A_82 = arith.muli %scan3A_8, %mul3A_81 : i32
      %swap3A_83 = arith.constant 5 : i32
      %swap3A_84 = arith.index_cast %swap3A_83 : i32 to index
      %swap3A_85 = arith.index_cast %mul3A_82 : i32 to index
      %swap3A_86 = tpu.vector_load %arg7[%swap3A_84, %swap3A_85] {strides = array<i32>} : memref<51x512xf32, #tpu.memory_space<vmem>>, vector<16xf32>,
      tpu.vector_store %arg7[%swap3A_84, %swap3A_85], %gather3A_80 {strides = array<i32>} : memref<51x512xf32, #tpu.memory_space<vmem>>, vector<16xf32>,
      %add3A_87 = arith.constant 6 : i32
      %add3A_88 = vector.broadcast %add3A_87 : i32 to vector<16xi32>
      %add3A_89 = arith.addi %and3A_28, %add3A_88 : vector<16xi32>
      %gather3A_90 = tpu.vector_load_idx %arg6[%shift_right_logical3A_25, %add3A_89] : memref<136x128xf32, #tpu.memory_space<vmem>>[vector<16xi32>, vector<16xi32>], vector<16xf32>,
      %mul3A_91 = arith.constant 16 : i32
      %mul3A_92 = arith.muli %scan3A_8, %mul3A_91 : i32
      %swap3A_93 = arith.constant 6 : i32
      %swap3A_94 = arith.index_cast %swap3A_93 : i32 to index
      %swap3A_95 = arith.index_cast %mul3A_92 : i32 to index
      %swap3A_96 = tpu.vector_load %arg7[%swap3A_94, %swap3A_95] {strides = array<i32>} : memref<51x512xf32, #tpu.memory_space<vmem>>, vector<16xf32>,
      tpu.vector_store %arg7[%swap3A_94, %swap3A_95], %gather3A_90 {strides = array<i32>} : memref<51x512xf32, #tpu.memory_space<vmem>>, vector<16xf32>,
      %add3A_97 = arith.constant 7 : i32
      %add3A_98 = vector.broadcast %add3A_97 : i32 to vector<16xi32>
      %add3A_99 = arith.addi %and3A_28, %add3A_98 : vector<16xi32>
      %gather3A_100 = tpu.vector_load_idx %arg6[%shift_right_logical3A_25, %add3A_99] : memref<136x128xf32, #tpu.memory_space<vmem>>[vector<16xi32>, vector<16xi32>], vector<16xf32>,
      %mul3A_101 = arith.constant 16 : i32
      %mul3A_102 = arith.muli %scan3A_8, %mul3A_101 : i32
      %swap3A_103 = arith.constant 7 : i32
      %swap3A_104 = arith.index_cast %swap3A_103 : i32 to index
      %swap3A_105 = arith.index_cast %mul3A_102 : i32 to index
      %swap3A_106 = tpu.vector_load %arg7[%swap3A_104, %swap3A_105] {strides = array<i32>} : memref<51x512xf32, #tpu.memory_space<vmem>>, vector<16xf32>,
      tpu.vector_store %arg7[%swap3A_104, %swap3A_105], %gather3A_100 {strides = array<i32>} : memref<51x512xf32, #tpu.memory_space<vmem>>, vector<16xf32>,
      %add3A_107 = arith.constant 8 : i32
      %add3A_108 = vector.broadcast %add3A_107 : i32 to vector<16xi32>
      %add3A_109 = arith.addi %and3A_28, %add3A_108 : vector<16xi32>
      %gather3A_110 = tpu.vector_load_idx %arg6[%shift_right_logical3A_25, %add3A_109] : memref<136x128xf32, #tpu.memory_space<vmem>>[vector<16xi32>, vector<16xi32>], vector<16xf32>,
      %mul3A_111 = arith.constant 16 : i32
      %mul3A_112 = arith.muli %scan3A_8, %mul3A_111 : i32
      %swap3A_113 = arith.constant 8 : i32
      %swap3A_114 = arith.index_cast %swap3A_113 : i32 to index
      %swap3A_115 = arith.index_cast %mul3A_112 : i32 to index
      %swap3A_116 = tpu.vector_load %arg7[%swap3A_114, %swap3A_115] {strides = array<i32>} : memref<51x512xf32, #tpu.memory_space<vmem>>, vector<16xf32>,
      tpu.vector_store %arg7[%swap3A_114, %swap3A_115], %gather3A_110 {strides = array<i32>} : memref<51x512xf32, #tpu.memory_space<vmem>>, vector<16xf32>,
      %add3A_117 = arith.constant 9 : i32
      %add3A_118 = vector.broadcast %add3A_117 : i32 to vector<16xi32>
      %add3A_119 = arith.addi %and3A_28, %add3A_118 : vector<16xi32>
      %gather3A_120 = tpu.vector_load_idx %arg6[%shift_right_logical3A_25, %add3A_119] : memref<136x128xf32, #tpu.memory_space<vmem>>[vector<16xi32>, vector<16xi32>], vector<16xf32>,
      %mul3A_121 = arith.constant 16 : i32
      %mul3A_122 = arith.muli %scan3A_8, %mul3A_121 : i32
      %swap3A_123 = arith.constant 9 : i32
      %swap3A_124 = arith.index_cast %swap3A_123 : i32 to index
      %swap3A_125 = arith.index_cast %mul3A_122 : i32 to index
      %swap3A_126 = tpu.vector_load %arg7[%swap3A_124, %swap3A_125] {strides = array<i32>} : memref<51x512xf32, #tpu.memory_space<vmem>>, vector<16xf32>,
      tpu.vector_store %arg7[%swap3A_124, %swap3A_125], %gather3A_120 {strides = array<i32>} : memref<51x512xf32, #tpu.memory_space<vmem>>, vector<16xf32>,
      %add3A_127 = arith.constant 10 : i32
      %add3A_128 = vector.broadcast %add3A_127 : i32 to vector<16xi32>
      %add3A_129 = arith.addi %and3A_28, %add3A_128 : vector<16xi32>
      %gather3A_130 = tpu.vector_load_idx %arg6[%shift_right_logical3A_25, %add3A_129] : memref<136x128xf32, #tpu.memory_space<vmem>>[vector<16xi32>, vector<16xi32>], vector<16xf32>,
      %mul3A_131 = arith.constant 16 : i32
      %mul3A_132 = arith.muli %scan3A_8, %mul3A_131 : i32
      %swap3A_133 = arith.constant 10 : i32
      %swap3A_134 = arith.index_cast %swap3A_133 : i32 to index
      %swap3A_135 = arith.index_cast %mul3A_132 : i32 to index
      %swap3A_136 = tpu.vector_load %arg7[%swap3A_134, %swap3A_135] {strides = array<i32>} : memref<51x512xf32, #tpu.memory_space<vmem>>, vector<16xf32>,
      tpu.vector_store %arg7[%swap3A_134, %swap3A_135], %gather3A_130 {strides = array<i32>} : memref<51x512xf32, #tpu.memory_space<vmem>>, vector<16xf32>,
      %add3A_137 = arith.constant 11 : i32
      %add3A_138 = vector.broadcast %add3A_137 : i32 to vector<16xi32>
      %add3A_139 = arith.addi %and3A_28, %add3A_138 : vector<16xi32>
      %gather3A_140 = tpu.vector_load_idx %arg6[%shift_right_logical3A_25, %add3A_139] : memref<136x128xf32, #tpu.memory_space<vmem>>[vector<16xi32>, vector<16xi32>], vector<16xf32>,
      %mul3A_141 = arith.constant 16 : i32
      %mul3A_142 = arith.muli %scan3A_8, %mul3A_141 : i32
      %swap3A_143 = arith.constant 11 : i32
      %swap3A_144 = arith.index_cast %swap3A_143 : i32 to index
      %swap3A_145 = arith.index_cast %mul3A_142 : i32 to index
      %swap3A_146 = tpu.vector_load %arg7[%swap3A_144, %swap3A_145] {strides = array<i32>} : memref<51x512xf32, #tpu.memory_space<vmem>>, vector<16xf32>,
      tpu.vector_store %arg7[%swap3A_144, %swap3A_145], %gather3A_140 {strides = array<i32>} : memref<51x512xf32, #tpu.memory_space<vmem>>, vector<16xf32>,
      %add3A_147 = arith.constant 12 : i32
      %add3A_148 = vector.broadcast %add3A_147 : i32 to vector<16xi32>
      %add3A_149 = arith.addi %and3A_28, %add3A_148 : vector<16xi32>
      %gather3A_150 = tpu.vector_load_idx %arg6[%shift_right_logical3A_25, %add3A_149] : memref<136x128xf32, #tpu.memory_space<vmem>>[vector<16xi32>, vector<16xi32>], vector<16xf32>,
      %mul3A_151 = arith.constant 16 : i32
      %mul3A_152 = arith.muli %scan3A_8, %mul3A_151 : i32
      %swap3A_153 = arith.constant 12 : i32
      %swap3A_154 = arith.index_cast %swap3A_153 : i32 to index
      %swap3A_155 = arith.index_cast %mul3A_152 : i32 to index
      %swap3A_156 = tpu.vector_load %arg7[%swap3A_154, %swap3A_155] {strides = array<i32>} : memref<51x512xf32, #tpu.memory_space<vmem>>, vector<16xf32>,
      tpu.vector_store %arg7[%swap3A_154, %swap3A_155], %gather3A_150 {strides = array<i32>} : memref<51x512xf32, #tpu.memory_space<vmem>>, vector<16xf32>,
      %add3A_157 = arith.constant 13 : i32
      %add3A_158 = vector.broadcast %add3A_157 : i32 to vector<16xi32>
      %add3A_159 = arith.addi %and3A_28, %add3A_158 : vector<16xi32>
      %gather3A_160 = tpu.vector_load_idx %arg6[%shift_right_logical3A_25, %add3A_159] : memref<136x128xf32, #tpu.memory_space<vmem>>[vector<16xi32>, vector<16xi32>], vector<16xf32>,
      %mul3A_161 = arith.constant 16 : i32
      %mul3A_162 = arith.muli %scan3A_8, %mul3A_161 : i32
      %swap3A_163 = arith.constant 13 : i32
      %swap3A_164 = arith.index_cast %swap3A_163 : i32 to index
      %swap3A_165 = arith.index_cast %mul3A_162 : i32 to index
      %swap3A_166 = tpu.vector_load %arg7[%swap3A_164, %swap3A_165] {strides = array<i32>} : memref<51x512xf32, #tpu.memory_space<vmem>>, vector<16xf32>,
      tpu.vector_store %arg7[%swap3A_164, %swap3A_165], %gather3A_160 {strides = array<i32>} : memref<51x512xf32, #tpu.memory_space<vmem>>, vector<16xf32>,
      %add3A_167 = arith.constant 14 : i32
      %add3A_168 = vector.broadcast %add3A_167 : i32 to vector<16xi32>
      %add3A_169 = arith.addi %and3A_28, %add3A_168 : vector<16xi32>
      %gather3A_170 = tpu.vector_load_idx %arg6[%shift_right_logical3A_25, %add3A_169] : memref<136x128xf32, #tpu.memory_space<vmem>>[vector<16xi32>, vector<16xi32>], vector<16xf32>,
      %mul3A_171 = arith.constant 16 : i32
      %mul3A_172 = arith.muli %scan3A_8, %mul3A_171 : i32
      %swap3A_173 = arith.constant 14 : i32
      %swap3A_174 = arith.index_cast %swap3A_173 : i32 to index
      %swap3A_175 = arith.index_cast %mul3A_172 : i32 to index
      %swap3A_176 = tpu.vector_load %arg7[%swap3A_174, %swap3A_175] {strides = array<i32>} : memref<51x512xf32, #tpu.memory_space<vmem>>, vector<16xf32>,
      tpu.vector_store %arg7[%swap3A_174, %swap3A_175], %gather3A_170 {strides = array<i32>} : memref<51x512xf32, #tpu.memory_space<vmem>>, vector<16xf32>,
      %add3A_177 = arith.constant 15 : i32
      %add3A_178 = vector.broadcast %add3A_177 : i32 to vector<16xi32>
      %add3A_179 = arith.addi %and3A_28, %add3A_178 : vector<16xi32>
      %gather3A_180 = tpu.vector_load_idx %arg6[%shift_right_logical3A_25, %add3A_179] : memref<136x128xf32, #tpu.memory_space<vmem>>[vector<16xi32>, vector<16xi32>], vector<16xf32>,
      %mul3A_181 = arith.constant 16 : i32
      %mul3A_182 = arith.muli %scan3A_8, %mul3A_181 : i32
      %swap3A_183 = arith.constant 15 : i32
      %swap3A_184 = arith.index_cast %swap3A_183 : i32 to index
      %swap3A_185 = arith.index_cast %mul3A_182 : i32 to index
      %swap3A_186 = tpu.vector_load %arg7[%swap3A_184, %swap3A_185] {strides = array<i32>} : memref<51x512xf32, #tpu.memory_space<vmem>>, vector<16xf32>,
      tpu.vector_store %arg7[%swap3A_184, %swap3A_185], %gather3A_180 {strides = array<i32>} : memref<51x512xf32, #tpu.memory_space<vmem>>, vector<16xf32>,
      %add3A_187 = arith.constant 16384 : i32
      %add3A_188 = vector.broadcast %add3A_187 : i32 to vector<16xi32>
      %add3A_189 = arith.addi %get3A_16, %add3A_188 : vector<16xi32>
      %shift_right_logical3A_190 = arith.constant 7 : i32
      %shift_right_logical3A_191 = vector.broadcast %shift_right_logical3A_190 : i32 to vector<16xi32>
      %shift_right_logical3A_192 = arith.shrui %add3A_189, %shift_right_logical3A_191 : vector<16xi32>
      %and3A_193 = arith.constant 127 : i32
      %and3A_194 = vector.broadcast %and3A_193 : i32 to vector<16xi32>
      %and3A_195 = arith.andi %add3A_189, %and3A_194 : vector<16xi32>
      %gather3A_196 = tpu.vector_load_idx %arg6[%shift_right_logical3A_192, %and3A_195] : memref<136x128xf32, #tpu.memory_space<vmem>>[vector<16xi32>, vector<16xi32>], vector<16xf32>,
      %mul3A_197 = arith.constant 16 : i32
      %mul3A_198 = arith.muli %scan3A_8, %mul3A_197 : i32
      %swap3A_199 = arith.constant 48 : i32
      %swap3A_200 = arith.index_cast %swap3A_199 : i32 to index
      %swap3A_201 = arith.index_cast %mul3A_198 : i32 to index
      %swap3A_202 = tpu.vector_load %arg7[%swap3A_200, %swap3A_201] {strides = array<i32>} : memref<51x512xf32, #tpu.memory_space<vmem>>, vector<16xf32>,
      tpu.vector_store %arg7[%swap3A_200, %swap3A_201], %gather3A_196 {strides = array<i32>} : memref<51x512xf32, #tpu.memory_space<vmem>>, vector<16xf32>,
      %add3A_203 = arith.constant 4 : i32
      %add3A_204 = arith.addi %add3A_203, %shift_right_logical3A_9 : i32
      %get3A_205 = arith.index_cast %add3A_204 : i32 to index
      %get3A_206 = arith.index_cast %mul3A_12 : i32 to index
      %get3A_207 = tpu.vector_load %arg5[%get3A_205, %get3A_206] {strides = array<i32>} : memref<12x128xi32, #tpu.memory_space<vmem>>, vector<16xi32>,
      %mul3A_208 = arith.constant 16 : i32
      %mul3A_209 = vector.broadcast %mul3A_208 : i32 to vector<16xi32>
      %mul3A_210 = arith.muli %get3A_207, %mul3A_209 : vector<16xi32>
      %add3A_211 = arith.constant 16000 : i32
      %add3A_212 = vector.broadcast %add3A_211 : i32 to vector<16xi32>
      %add3A_213 = arith.addi %mul3A_210, %add3A_212 : vector<16xi32>
      %shift_right_logical3A_214 = arith.constant 7 : i32
      %shift_right_logical3A_215 = vector.broadcast %shift_right_logical3A_214 : i32 to vector<16xi32>
      %shift_right_logical3A_216 = arith.shrui %add3A_213, %shift_right_logical3A_215 : vector<16xi32>
      %and3A_217 = arith.constant 127 : i32
      %and3A_218 = vector.broadcast %and3A_217 : i32 to vector<16xi32>
      %and3A_219 = arith.andi %add3A_213, %and3A_218 : vector<16xi32>
      %add3A_220 = arith.constant 0 : i32
      %add3A_221 = vector.broadcast %add3A_220 : i32 to vector<16xi32>
      %add3A_222 = arith.addi %and3A_219, %add3A_221 : vector<16xi32>
      %gather3A_223 = tpu.vector_load_idx %arg6[%shift_right_logical3A_216, %add3A_222] : memref<136x128xf32, #tpu.memory_space<vmem>>[vector<16xi32>, vector<16xi32>], vector<16xf32>,
      %mul3A_224 = arith.constant 16 : i32
      %mul3A_225 = arith.muli %scan3A_8, %mul3A_224 : i32
      %swap3A_226 = arith.constant 16 : i32
      %swap3A_227 = arith.index_cast %swap3A_226 : i32 to index
      %swap3A_228 = arith.index_cast %mul3A_225 : i32 to index
      %swap3A_229 = tpu.vector_load %arg7[%swap3A_227, %swap3A_228] {strides = array<i32>} : memref<51x512xf32, #tpu.memory_space<vmem>>, vector<16xf32>,
      tpu.vector_store %arg7[%swap3A_227, %swap3A_228], %gather3A_223 {strides = array<i32>} : memref<51x512xf32, #tpu.memory_space<vmem>>, vector<16xf32>,
      %add3A_230 = arith.constant 1 : i32
      %add3A_231 = vector.broadcast %add3A_230 : i32 to vector<16xi32>
      %add3A_232 = arith.addi %and3A_219, %add3A_231 : vector<16xi32>
      %gather3A_233 = tpu.vector_load_idx %arg6[%shift_right_logical3A_216, %add3A_232] : memref<136x128xf32, #tpu.memory_space<vmem>>[vector<16xi32>, vector<16xi32>], vector<16xf32>,
      %mul3A_234 = arith.constant 16 : i32
      %mul3A_235 = arith.muli %scan3A_8, %mul3A_234 : i32
      %swap3A_236 = arith.constant 17 : i32
      %swap3A_237 = arith.index_cast %swap3A_236 : i32 to index
      %swap3A_238 = arith.index_cast %mul3A_235 : i32 to index
      %swap3A_239 = tpu.vector_load %arg7[%swap3A_237, %swap3A_238] {strides = array<i32>} : memref<51x512xf32, #tpu.memory_space<vmem>>, vector<16xf32>,
      tpu.vector_store %arg7[%swap3A_237, %swap3A_238], %gather3A_233 {strides = array<i32>} : memref<51x512xf32, #tpu.memory_space<vmem>>, vector<16xf32>,
      %add3A_240 = arith.constant 2 : i32
      %add3A_241 = vector.broadcast %add3A_240 : i32 to vector<16xi32>
      %add3A_242 = arith.addi %and3A_219, %add3A_241 : vector<16xi32>
      %gather3A_243 = tpu.vector_load_idx %arg6[%shift_right_logical3A_216, %add3A_242] : memref<136x128xf32, #tpu.memory_space<vmem>>[vector<16xi32>, vector<16xi32>], vector<16xf32>,
      %mul3A_244 = arith.constant 16 : i32
      %mul3A_245 = arith.muli %scan3A_8, %mul3A_244 : i32
      %swap3A_246 = arith.constant 18 : i32
      %swap3A_247 = arith.index_cast %swap3A_246 : i32 to index
      %swap3A_248 = arith.index_cast %mul3A_245 : i32 to index
      %swap3A_249 = tpu.vector_load %arg7[%swap3A_247, %swap3A_248] {strides = array<i32>} : memref<51x512xf32, #tpu.memory_space<vmem>>, vector<16xf32>,
      tpu.vector_store %arg7[%swap3A_247, %swap3A_248], %gather3A_243 {strides = array<i32>} : memref<51x512xf32, #tpu.memory_space<vmem>>, vector<16xf32>,
      %add3A_250 = arith.constant 3 : i32
      %add3A_251 = vector.broadcast %add3A_250 : i32 to vector<16xi32>
      %add3A_252 = arith.addi %and3A_219, %add3A_251 : vector<16xi32>
      %gather3A_253 = tpu.vector_load_idx %arg6[%shift_right_logical3A_216, %add3A_252] : memref<136x128xf32, #tpu.memory_space<vmem>>[vector<16xi32>, vector<16xi32>], vector<16xf32>,
      %mul3A_254 = arith.constant 16 : i32
      %mul3A_255 = arith.muli %scan3A_8, %mul3A_254 : i32
      %swap3A_256 = arith.constant 19 : i32
      %swap3A_257 = arith.index_cast %swap3A_256 : i32 to index
      %swap3A_258 = arith.index_cast %mul3A_255 : i32 to index
      %swap3A_259 = tpu.vector_load %arg7[%swap3A_257, %swap3A_258] {strides = array<i32>} : memref<51x512xf32, #tpu.memory_space<vmem>>, vector<16xf32>,
      tpu.vector_store %arg7[%swap3A_257, %swap3A_258], %gather3A_253 {strides = array<i32>} : memref<51x512xf32, #tpu.memory_space<vmem>>, vector<16xf32>,
      %add3A_260 = arith.constant 4 : i32
      %add3A_261 = vector.broadcast %add3A_260 : i32 to vector<16xi32>
      %add3A_262 = arith.addi %and3A_219, %add3A_261 : vector<16xi32>
      %gather3A_263 = tpu.vector_load_idx %arg6[%shift_right_logical3A_216, %add3A_262] : memref<136x128xf32, #tpu.memory_space<vmem>>[vector<16xi32>, vector<16xi32>], vector<16xf32>,
      %mul3A_264 = arith.constant 16 : i32
      %mul3A_265 = arith.muli %scan3A_8, %mul3A_264 : i32
      %swap3A_266 = arith.constant 20 : i32
      %swap3A_267 = arith.index_cast %swap3A_266 : i32 to index
      %swap3A_268 = arith.index_cast %mul3A_265 : i32 to index
      %swap3A_269 = tpu.vector_load %arg7[%swap3A_267, %swap3A_268] {strides = array<i32>} : memref<51x512xf32, #tpu.memory_space<vmem>>, vector<16xf32>,
      tpu.vector_store %arg7[%swap3A_267, %swap3A_268], %gather3A_263 {strides = array<i32>} : memref<51x512xf32, #tpu.memory_space<vmem>>, vector<16xf32>,
      %add3A_270 = arith.constant 5 : i32
      %add3A_271 = vector.broadcast %add3A_270 : i32 to vector<16xi32>
      %add3A_272 = arith.addi %and3A_219, %add3A_271 : vector<16xi32>
      %gather3A_273 = tpu.vector_load_idx %arg6[%shift_right_logical3A_216, %add3A_272] : memref<136x128xf32, #tpu.memory_space<vmem>>[vector<16xi32>, vector<16xi32>], vector<16xf32>,
      %mul3A_274 = arith.constant 16 : i32
      %mul3A_275 = arith.muli %scan3A_8, %mul3A_274 : i32
      %swap3A_276 = arith.constant 21 : i32
      %swap3A_277 = arith.index_cast %swap3A_276 : i32 to index
      %swap3A_278 = arith.index_cast %mul3A_275 : i32 to index
      %swap3A_279 = tpu.vector_load %arg7[%swap3A_277, %swap3A_278] {strides = array<i32>} : memref<51x512xf32, #tpu.memory_space<vmem>>, vector<16xf32>,
      tpu.vector_store %arg7[%swap3A_277, %swap3A_278], %gather3A_273 {strides = array<i32>} : memref<51x512xf32, #tpu.memory_space<vmem>>, vector<16xf32>,
      %add3A_280 = arith.constant 6 : i32
      %add3A_281 = vector.broadcast %add3A_280 : i32 to vector<16xi32>
      %add3A_282 = arith.addi %and3A_219, %add3A_281 : vector<16xi32>
      %gather3A_283 = tpu.vector_load_idx %arg6[%shift_right_logical3A_216, %add3A_282] : memref<136x128xf32, #tpu.memory_space<vmem>>[vector<16xi32>, vector<16xi32>], vector<16xf32>,
      %mul3A_284 = arith.constant 16 : i32
      %mul3A_285 = arith.muli %scan3A_8, %mul3A_284 : i32
      %swap3A_286 = arith.constant 22 : i32
      %swap3A_287 = arith.index_cast %swap3A_286 : i32 to index
      %swap3A_288 = arith.index_cast %mul3A_285 : i32 to index
      %swap3A_289 = tpu.vector_load %arg7[%swap3A_287, %swap3A_288] {strides = array<i32>} : memref<51x512xf32, #tpu.memory_space<vmem>>, vector<16xf32>,
      tpu.vector_store %arg7[%swap3A_287, %swap3A_288], %gather3A_283 {strides = array<i32>} : memref<51x512xf32, #tpu.memory_space<vmem>>, vector<16xf32>,
      %add3A_290 = arith.constant 7 : i32
      %add3A_291 = vector.broadcast %add3A_290 : i32 to vector<16xi32>
      %add3A_292 = arith.addi %and3A_219, %add3A_291 : vector<16xi32>
      %gather3A_293 = tpu.vector_load_idx %arg6[%shift_right_logical3A_216, %add3A_292] : memref<136x128xf32, #tpu.memory_space<vmem>>[vector<16xi32>, vector<16xi32>], vector<16xf32>,
      %mul3A_294 = arith.constant 16 : i32
      %mul3A_295 = arith.muli %scan3A_8, %mul3A_294 : i32
      %swap3A_296 = arith.constant 23 : i32
      %swap3A_297 = arith.index_cast %swap3A_296 : i32 to index
      %swap3A_298 = arith.index_cast %mul3A_295 : i32 to index
      %swap3A_299 = tpu.vector_load %arg7[%swap3A_297, %swap3A_298] {strides = array<i32>} : memref<51x512xf32, #tpu.memory_space<vmem>>, vector<16xf32>,
      tpu.vector_store %arg7[%swap3A_297, %swap3A_298], %gather3A_293 {strides = array<i32>} : memref<51x512xf32, #tpu.memory_space<vmem>>, vector<16xf32>,
      %add3A_300 = arith.constant 8 : i32
      %add3A_301 = vector.broadcast %add3A_300 : i32 to vector<16xi32>
      %add3A_302 = arith.addi %and3A_219, %add3A_301 : vector<16xi32>
      %gather3A_303 = tpu.vector_load_idx %arg6[%shift_right_logical3A_216, %add3A_302] : memref<136x128xf32, #tpu.memory_space<vmem>>[vector<16xi32>, vector<16xi32>], vector<16xf32>,
      %mul3A_304 = arith.constant 16 : i32
      %mul3A_305 = arith.muli %scan3A_8, %mul3A_304 : i32
      %swap3A_306 = arith.constant 24 : i32
      %swap3A_307 = arith.index_cast %swap3A_306 : i32 to index
      %swap3A_308 = arith.index_cast %mul3A_305 : i32 to index
      %swap3A_309 = tpu.vector_load %arg7[%swap3A_307, %swap3A_308] {strides = array<i32>} : memref<51x512xf32, #tpu.memory_space<vmem>>, vector<16xf32>,
      tpu.vector_store %arg7[%swap3A_307, %swap3A_308], %gather3A_303 {strides = array<i32>} : memref<51x512xf32, #tpu.memory_space<vmem>>, vector<16xf32>,
      %add3A_310 = arith.constant 9 : i32
      %add3A_311 = vector.broadcast %add3A_310 : i32 to vector<16xi32>
      %add3A_312 = arith.addi %and3A_219, %add3A_311 : vector<16xi32>
      %gather3A_313 = tpu.vector_load_idx %arg6[%shift_right_logical3A_216, %add3A_312] : memref<136x128xf32, #tpu.memory_space<vmem>>[vector<16xi32>, vector<16xi32>], vector<16xf32>,
      %mul3A_314 = arith.constant 16 : i32
      %mul3A_315 = arith.muli %scan3A_8, %mul3A_314 : i32
      %swap3A_316 = arith.constant 25 : i32
      %swap3A_317 = arith.index_cast %swap3A_316 : i32 to index
      %swap3A_318 = arith.index_cast %mul3A_315 : i32 to index
      %swap3A_319 = tpu.vector_load %arg7[%swap3A_317, %swap3A_318] {strides = array<i32>} : memref<51x512xf32, #tpu.memory_space<vmem>>, vector<16xf32>,
      tpu.vector_store %arg7[%swap3A_317, %swap3A_318], %gather3A_313 {strides = array<i32>} : memref<51x512xf32, #tpu.memory_space<vmem>>, vector<16xf32>,
      %add3A_320 = arith.constant 10 : i32
      %add3A_321 = vector.broadcast %add3A_320 : i32 to vector<16xi32>
      %add3A_322 = arith.addi %and3A_219, %add3A_321 : vector<16xi32>
      %gather3A_323 = tpu.vector_load_idx %arg6[%shift_right_logical3A_216, %add3A_322] : memref<136x128xf32, #tpu.memory_space<vmem>>[vector<16xi32>, vector<16xi32>], vector<16xf32>,
      %mul3A_324 = arith.constant 16 : i32
      %mul3A_325 = arith.muli %scan3A_8, %mul3A_324 : i32
      %swap3A_326 = arith.constant 26 : i32
      %swap3A_327 = arith.index_cast %swap3A_326 : i32 to index
      %swap3A_328 = arith.index_cast %mul3A_325 : i32 to index
      %swap3A_329 = tpu.vector_load %arg7[%swap3A_327, %swap3A_328] {strides = array<i32>} : memref<51x512xf32, #tpu.memory_space<vmem>>, vector<16xf32>,
      tpu.vector_store %arg7[%swap3A_327, %swap3A_328], %gather3A_323 {strides = array<i32>} : memref<51x512xf32, #tpu.memory_space<vmem>>, vector<16xf32>,
      %add3A_330 = arith.constant 11 : i32
      %add3A_331 = vector.broadcast %add3A_330 : i32 to vector<16xi32>
      %add3A_332 = arith.addi %and3A_219, %add3A_331 : vector<16xi32>
      %gather3A_333 = tpu.vector_load_idx %arg6[%shift_right_logical3A_216, %add3A_332] : memref<136x128xf32, #tpu.memory_space<vmem>>[vector<16xi32>, vector<16xi32>], vector<16xf32>,
      %mul3A_334 = arith.constant 16 : i32
      %mul3A_335 = arith.muli %scan3A_8, %mul3A_334 : i32
      %swap3A_336 = arith.constant 27 : i32
      %swap3A_337 = arith.index_cast %swap3A_336 : i32 to index
      %swap3A_338 = arith.index_cast %mul3A_335 : i32 to index
      %swap3A_339 = tpu.vector_load %arg7[%swap3A_337, %swap3A_338] {strides = array<i32>} : memref<51x512xf32, #tpu.memory_space<vmem>>, vector<16xf32>,
      tpu.vector_store %arg7[%swap3A_337, %swap3A_338], %gather3A_333 {strides = array<i32>} : memref<51x512xf32, #tpu.memory_space<vmem>>, vector<16xf32>,
      %add3A_340 = arith.constant 12 : i32
      %add3A_341 = vector.broadcast %add3A_340 : i32 to vector<16xi32>
      %add3A_342 = arith.addi %and3A_219, %add3A_341 : vector<16xi32>
      %gather3A_343 = tpu.vector_load_idx %arg6[%shift_right_logical3A_216, %add3A_342] : memref<136x128xf32, #tpu.memory_space<vmem>>[vector<16xi32>, vector<16xi32>], vector<16xf32>,
      %mul3A_344 = arith.constant 16 : i32
      %mul3A_345 = arith.muli %scan3A_8, %mul3A_344 : i32
      %swap3A_346 = arith.constant 28 : i32
      %swap3A_347 = arith.index_cast %swap3A_346 : i32 to index
      %swap3A_348 = arith.index_cast %mul3A_345 : i32 to index
      %swap3A_349 = tpu.vector_load %arg7[%swap3A_347, %swap3A_348] {strides = array<i32>} : memref<51x512xf32, #tpu.memory_space<vmem>>, vector<16xf32>,
      tpu.vector_store %arg7[%swap3A_347, %swap3A_348], %gather3A_343 {strides = array<i32>} : memref<51x512xf32, #tpu.memory_space<vmem>>, vector<16xf32>,
      %add3A_350 = arith.constant 13 : i32
      %add3A_351 = vector.broadcast %add3A_350 : i32 to vector<16xi32>
      %add3A_352 = arith.addi %and3A_219, %add3A_351 : vector<16xi32>
      %gather3A_353 = tpu.vector_load_idx %arg6[%shift_right_logical3A_216, %add3A_352] : memref<136x128xf32, #tpu.memory_space<vmem>>[vector<16xi32>, vector<16xi32>], vector<16xf32>,
      %mul3A_354 = arith.constant 16 : i32
      %mul3A_355 = arith.muli %scan3A_8, %mul3A_354 : i32
      %swap3A_356 = arith.constant 29 : i32
      %swap3A_357 = arith.index_cast %swap3A_356 : i32 to index
      %swap3A_358 = arith.index_cast %mul3A_355 : i32 to index
      %swap3A_359 = tpu.vector_load %arg7[%swap3A_357, %swap3A_358] {strides = array<i32>} : memref<51x512xf32, #tpu.memory_space<vmem>>, vector<16xf32>,
      tpu.vector_store %arg7[%swap3A_357, %swap3A_358], %gather3A_353 {strides = array<i32>} : memref<51x512xf32, #tpu.memory_space<vmem>>, vector<16xf32>,
      %add3A_360 = arith.constant 14 : i32
      %add3A_361 = vector.broadcast %add3A_360 : i32 to vector<16xi32>
      %add3A_362 = arith.addi %and3A_219, %add3A_361 : vector<16xi32>
      %gather3A_363 = tpu.vector_load_idx %arg6[%shift_right_logical3A_216, %add3A_362] : memref<136x128xf32, #tpu.memory_space<vmem>>[vector<16xi32>, vector<16xi32>], vector<16xf32>,
      %mul3A_364 = arith.constant 16 : i32
      %mul3A_365 = arith.muli %scan3A_8, %mul3A_364 : i32
      %swap3A_366 = arith.constant 30 : i32
      %swap3A_367 = arith.index_cast %swap3A_366 : i32 to index
      %swap3A_368 = arith.index_cast %mul3A_365 : i32 to index
      %swap3A_369 = tpu.vector_load %arg7[%swap3A_367, %swap3A_368] {strides = array<i32>} : memref<51x512xf32, #tpu.memory_space<vmem>>, vector<16xf32>,
      tpu.vector_store %arg7[%swap3A_367, %swap3A_368], %gather3A_363 {strides = array<i32>} : memref<51x512xf32, #tpu.memory_space<vmem>>, vector<16xf32>,
      %add3A_370 = arith.constant 15 : i32
      %add3A_371 = vector.broadcast %add3A_370 : i32 to vector<16xi32>
      %add3A_372 = arith.addi %and3A_219, %add3A_371 : vector<16xi32>
      %gather3A_373 = tpu.vector_load_idx %arg6[%shift_right_logical3A_216, %add3A_372] : memref<136x128xf32, #tpu.memory_space<vmem>>[vector<16xi32>, vector<16xi32>], vector<16xf32>,
      %mul3A_374 = arith.constant 16 : i32
      %mul3A_375 = arith.muli %scan3A_8, %mul3A_374 : i32
      %swap3A_376 = arith.constant 31 : i32
      %swap3A_377 = arith.index_cast %swap3A_376 : i32 to index
      %swap3A_378 = arith.index_cast %mul3A_375 : i32 to index
      %swap3A_379 = tpu.vector_load %arg7[%swap3A_377, %swap3A_378] {strides = array<i32>} : memref<51x512xf32, #tpu.memory_space<vmem>>, vector<16xf32>,
      tpu.vector_store %arg7[%swap3A_377, %swap3A_378], %gather3A_373 {strides = array<i32>} : memref<51x512xf32, #tpu.memory_space<vmem>>, vector<16xf32>,
      %add3A_380 = arith.constant 17384 : i32
      %add3A_381 = vector.broadcast %add3A_380 : i32 to vector<16xi32>
      %add3A_382 = arith.addi %get3A_207, %add3A_381 : vector<16xi32>
      %shift_right_logical3A_383 = arith.constant 7 : i32
      %shift_right_logical3A_384 = vector.broadcast %shift_right_logical3A_383 : i32 to vector<16xi32>
      %shift_right_logical3A_385 = arith.shrui %add3A_382, %shift_right_logical3A_384 : vector<16xi32>
      %and3A_386 = arith.constant 127 : i32
      %and3A_387 = vector.broadcast %and3A_386 : i32 to vector<16xi32>
      %and3A_388 = arith.andi %add3A_382, %and3A_387 : vector<16xi32>
      %gather3A_389 = tpu.vector_load_idx %arg6[%shift_right_logical3A_385, %and3A_388] : memref<136x128xf32, #tpu.memory_space<vmem>>[vector<16xi32>, vector<16xi32>], vector<16xf32>,
      %mul3A_390 = arith.constant 16 : i32
      %mul3A_391 = arith.muli %scan3A_8, %mul3A_390 : i32
      %swap3A_392 = arith.constant 49 : i32
      %swap3A_393 = arith.index_cast %swap3A_392 : i32 to index
      %swap3A_394 = arith.index_cast %mul3A_391 : i32 to index
      %swap3A_395 = tpu.vector_load %arg7[%swap3A_393, %swap3A_394] {strides = array<i32>} : memref<51x512xf32, #tpu.memory_space<vmem>>, vector<16xf32>,
      tpu.vector_store %arg7[%swap3A_393, %swap3A_394], %gather3A_389 {strides = array<i32>} : memref<51x512xf32, #tpu.memory_space<vmem>>, vector<16xf32>,
      %add3A_396 = arith.constant 8 : i32
      %add3A_397 = arith.addi %add3A_396, %shift_right_logical3A_9 : i32
      %get3A_398 = arith.index_cast %add3A_397 : i32 to index
      %get3A_399 = arith.index_cast %mul3A_12 : i32 to index
      %get3A_400 = tpu.vector_load %arg5[%get3A_398, %get3A_399] {strides = array<i32>} : memref<12x128xi32, #tpu.memory_space<vmem>>, vector<16xi32>,
      %mul3A_401 = arith.constant 16 : i32
      %mul3A_402 = vector.broadcast %mul3A_401 : i32 to vector<16xi32>
      %mul3A_403 = arith.muli %get3A_400, %mul3A_402 : vector<16xi32>
      %add3A_404 = arith.constant 16128 : i32
      %add3A_405 = vector.broadcast %add3A_404 : i32 to vector<16xi32>
      %add3A_406 = arith.addi %mul3A_403, %add3A_405 : vector<16xi32>
      %shift_right_logical3A_407 = arith.constant 7 : i32
      %shift_right_logical3A_408 = vector.broadcast %shift_right_logical3A_407 : i32 to vector<16xi32>
      %shift_right_logical3A_409 = arith.shrui %add3A_406, %shift_right_logical3A_408 : vector<16xi32>
      %and3A_410 = arith.constant 127 : i32
      %and3A_411 = vector.broadcast %and3A_410 : i32 to vector<16xi32>
      %and3A_412 = arith.andi %add3A_406, %and3A_411 : vector<16xi32>
      %add3A_413 = arith.constant 0 : i32
      %add3A_414 = vector.broadcast %add3A_413 : i32 to vector<16xi32>
      %add3A_415 = arith.addi %and3A_412, %add3A_414 : vector<16xi32>
      %gather3A_416 = tpu.vector_load_idx %arg6[%shift_right_logical3A_409, %add3A_415] : memref<136x128xf32, #tpu.memory_space<vmem>>[vector<16xi32>, vector<16xi32>], vector<16xf32>,
      %mul3A_417 = arith.constant 16 : i32
      %mul3A_418 = arith.muli %scan3A_8, %mul3A_417 : i32
      %swap3A_419 = arith.constant 32 : i32
      %swap3A_420 = arith.index_cast %swap3A_419 : i32 to index
      %swap3A_421 = arith.index_cast %mul3A_418 : i32 to index
      %swap3A_422 = tpu.vector_load %arg7[%swap3A_420, %swap3A_421] {strides = array<i32>} : memref<51x512xf32, #tpu.memory_space<vmem>>, vector<16xf32>,
      tpu.vector_store %arg7[%swap3A_420, %swap3A_421], %gather3A_416 {strides = array<i32>} : memref<51x512xf32, #tpu.memory_space<vmem>>, vector<16xf32>,
      %add3A_423 = arith.constant 1 : i32
      %add3A_424 = vector.broadcast %add3A_423 : i32 to vector<16xi32>
      %add3A_425 = arith.addi %and3A_412, %add3A_424 : vector<16xi32>
      %gather3A_426 = tpu.vector_load_idx %arg6[%shift_right_logical3A_409, %add3A_425] : memref<136x128xf32, #tpu.memory_space<vmem>>[vector<16xi32>, vector<16xi32>], vector<16xf32>,
      %mul3A_427 = arith.constant 16 : i32
      %mul3A_428 = arith.muli %scan3A_8, %mul3A_427 : i32
      %swap3A_429 = arith.constant 33 : i32
      %swap3A_430 = arith.index_cast %swap3A_429 : i32 to index
      %swap3A_431 = arith.index_cast %mul3A_428 : i32 to index
      %swap3A_432 = tpu.vector_load %arg7[%swap3A_430, %swap3A_431] {strides = array<i32>} : memref<51x512xf32, #tpu.memory_space<vmem>>, vector<16xf32>,
      tpu.vector_store %arg7[%swap3A_430, %swap3A_431], %gather3A_426 {strides = array<i32>} : memref<51x512xf32, #tpu.memory_space<vmem>>, vector<16xf32>,
      %add3A_433 = arith.constant 2 : i32
      %add3A_434 = vector.broadcast %add3A_433 : i32 to vector<16xi32>
      %add3A_435 = arith.addi %and3A_412, %add3A_434 : vector<16xi32>
      %gather3A_436 = tpu.vector_load_idx %arg6[%shift_right_logical3A_409, %add3A_435] : memref<136x128xf32, #tpu.memory_space<vmem>>[vector<16xi32>, vector<16xi32>], vector<16xf32>,
      %mul3A_437 = arith.constant 16 : i32
      %mul3A_438 = arith.muli %scan3A_8, %mul3A_437 : i32
      %swap3A_439 = arith.constant 34 : i32
      %swap3A_440 = arith.index_cast %swap3A_439 : i32 to index
      %swap3A_441 = arith.index_cast %mul3A_438 : i32 to index
      %swap3A_442 = tpu.vector_load %arg7[%swap3A_440, %swap3A_441] {strides = array<i32>} : memref<51x512xf32, #tpu.memory_space<vmem>>, vector<16xf32>,
      tpu.vector_store %arg7[%swap3A_440, %swap3A_441], %gather3A_436 {strides = array<i32>} : memref<51x512xf32, #tpu.memory_space<vmem>>, vector<16xf32>,
      %add3A_443 = arith.constant 3 : i32
      %add3A_444 = vector.broadcast %add3A_443 : i32 to vector<16xi32>
      %add3A_445 = arith.addi %and3A_412, %add3A_444 : vector<16xi32>
      %gather3A_446 = tpu.vector_load_idx %arg6[%shift_right_logical3A_409, %add3A_445] : memref<136x128xf32, #tpu.memory_space<vmem>>[vector<16xi32>, vector<16xi32>], vector<16xf32>,
      %mul3A_447 = arith.constant 16 : i32
      %mul3A_448 = arith.muli %scan3A_8, %mul3A_447 : i32
      %swap3A_449 = arith.constant 35 : i32
      %swap3A_450 = arith.index_cast %swap3A_449 : i32 to index
      %swap3A_451 = arith.index_cast %mul3A_448 : i32 to index
      %swap3A_452 = tpu.vector_load %arg7[%swap3A_450, %swap3A_451] {strides = array<i32>} : memref<51x512xf32, #tpu.memory_space<vmem>>, vector<16xf32>,
      tpu.vector_store %arg7[%swap3A_450, %swap3A_451], %gather3A_446 {strides = array<i32>} : memref<51x512xf32, #tpu.memory_space<vmem>>, vector<16xf32>,
      %add3A_453 = arith.constant 4 : i32
      %add3A_454 = vector.broadcast %add3A_453 : i32 to vector<16xi32>
      %add3A_455 = arith.addi %and3A_412, %add3A_454 : vector<16xi32>
      %gather3A_456 = tpu.vector_load_idx %arg6[%shift_right_logical3A_409, %add3A_455] : memref<136x128xf32, #tpu.memory_space<vmem>>[vector<16xi32>, vector<16xi32>], vector<16xf32>,
      %mul3A_457 = arith.constant 16 : i32
      %mul3A_458 = arith.muli %scan3A_8, %mul3A_457 : i32
      %swap3A_459 = arith.constant 36 : i32
      %swap3A_460 = arith.index_cast %swap3A_459 : i32 to index
      %swap3A_461 = arith.index_cast %mul3A_458 : i32 to index
      %swap3A_462 = tpu.vector_load %arg7[%swap3A_460, %swap3A_461] {strides = array<i32>} : memref<51x512xf32, #tpu.memory_space<vmem>>, vector<16xf32>,
      tpu.vector_store %arg7[%swap3A_460, %swap3A_461], %gather3A_456 {strides = array<i32>} : memref<51x512xf32, #tpu.memory_space<vmem>>, vector<16xf32>,
      %add3A_463 = arith.constant 5 : i32
      %add3A_464 = vector.broadcast %add3A_463 : i32 to vector<16xi32>
      %add3A_465 = arith.addi %and3A_412, %add3A_464 : vector<16xi32>
      %gather3A_466 = tpu.vector_load_idx %arg6[%shift_right_logical3A_409, %add3A_465] : memref<136x128xf32, #tpu.memory_space<vmem>>[vector<16xi32>, vector<16xi32>], vector<16xf32>,
      %mul3A_467 = arith.constant 16 : i32
      %mul3A_468 = arith.muli %scan3A_8, %mul3A_467 : i32
      %swap3A_469 = arith.constant 37 : i32
      %swap3A_470 = arith.index_cast %swap3A_469 : i32 to index
      %swap3A_471 = arith.index_cast %mul3A_468 : i32 to index
      %swap3A_472 = tpu.vector_load %arg7[%swap3A_470, %swap3A_471] {strides = array<i32>} : memref<51x512xf32, #tpu.memory_space<vmem>>, vector<16xf32>,
      tpu.vector_store %arg7[%swap3A_470, %swap3A_471], %gather3A_466 {strides = array<i32>} : memref<51x512xf32, #tpu.memory_space<vmem>>, vector<16xf32>,
      %add3A_473 = arith.constant 6 : i32
      %add3A_474 = vector.broadcast %add3A_473 : i32 to vector<16xi32>
      %add3A_475 = arith.addi %and3A_412, %add3A_474 : vector<16xi32>
      %gather3A_476 = tpu.vector_load_idx %arg6[%shift_right_logical3A_409, %add3A_475] : memref<136x128xf32, #tpu.memory_space<vmem>>[vector<16xi32>, vector<16xi32>], vector<16xf32>,
      %mul3A_477 = arith.constant 16 : i32
      %mul3A_478 = arith.muli %scan3A_8, %mul3A_477 : i32
      %swap3A_479 = arith.constant 38 : i32
      %swap3A_480 = arith.index_cast %swap3A_479 : i32 to index
      %swap3A_481 = arith.index_cast %mul3A_478 : i32 to index
      %swap3A_482 = tpu.vector_load %arg7[%swap3A_480, %swap3A_481] {strides = array<i32>} : memref<51x512xf32, #tpu.memory_space<vmem>>, vector<16xf32>,
      tpu.vector_store %arg7[%swap3A_480, %swap3A_481], %gather3A_476 {strides = array<i32>} : memref<51x512xf32, #tpu.memory_space<vmem>>, vector<16xf32>,
      %add3A_483 = arith.constant 7 : i32
      %add3A_484 = vector.broadcast %add3A_483 : i32 to vector<16xi32>
      %add3A_485 = arith.addi %and3A_412, %add3A_484 : vector<16xi32>
      %gather3A_486 = tpu.vector_load_idx %arg6[%shift_right_logical3A_409, %add3A_485] : memref<136x128xf32, #tpu.memory_space<vmem>>[vector<16xi32>, vector<16xi32>], vector<16xf32>,
      %mul3A_487 = arith.constant 16 : i32
      %mul3A_488 = arith.muli %scan3A_8, %mul3A_487 : i32
      %swap3A_489 = arith.constant 39 : i32
      %swap3A_490 = arith.index_cast %swap3A_489 : i32 to index
      %swap3A_491 = arith.index_cast %mul3A_488 : i32 to index
      %swap3A_492 = tpu.vector_load %arg7[%swap3A_490, %swap3A_491] {strides = array<i32>} : memref<51x512xf32, #tpu.memory_space<vmem>>, vector<16xf32>,
      tpu.vector_store %arg7[%swap3A_490, %swap3A_491], %gather3A_486 {strides = array<i32>} : memref<51x512xf32, #tpu.memory_space<vmem>>, vector<16xf32>,
      %add3A_493 = arith.constant 8 : i32
      %add3A_494 = vector.broadcast %add3A_493 : i32 to vector<16xi32>
      %add3A_495 = arith.addi %and3A_412, %add3A_494 : vector<16xi32>
      %gather3A_496 = tpu.vector_load_idx %arg6[%shift_right_logical3A_409, %add3A_495] : memref<136x128xf32, #tpu.memory_space<vmem>>[vector<16xi32>, vector<16xi32>], vector<16xf32>,
      %mul3A_497 = arith.constant 16 : i32
      %mul3A_498 = arith.muli %scan3A_8, %mul3A_497 : i32
      %swap3A_499 = arith.constant 40 : i32
      %swap3A_500 = arith.index_cast %swap3A_499 : i32 to index
      %swap3A_501 = arith.index_cast %mul3A_498 : i32 to index
      %swap3A_502 = tpu.vector_load %arg7[%swap3A_500, %swap3A_501] {strides = array<i32>} : memref<51x512xf32, #tpu.memory_space<vmem>>, vector<16xf32>,
      tpu.vector_store %arg7[%swap3A_500, %swap3A_501], %gather3A_496 {strides = array<i32>} : memref<51x512xf32, #tpu.memory_space<vmem>>, vector<16xf32>,
      %add3A_503 = arith.constant 9 : i32
      %add3A_504 = vector.broadcast %add3A_503 : i32 to vector<16xi32>
      %add3A_505 = arith.addi %and3A_412, %add3A_504 : vector<16xi32>
      %gather3A_506 = tpu.vector_load_idx %arg6[%shift_right_logical3A_409, %add3A_505] : memref<136x128xf32, #tpu.memory_space<vmem>>[vector<16xi32>, vector<16xi32>], vector<16xf32>,
      %mul3A_507 = arith.constant 16 : i32
      %mul3A_508 = arith.muli %scan3A_8, %mul3A_507 : i32
      %swap3A_509 = arith.constant 41 : i32
      %swap3A_510 = arith.index_cast %swap3A_509 : i32 to index
      %swap3A_511 = arith.index_cast %mul3A_508 : i32 to index
      %swap3A_512 = tpu.vector_load %arg7[%swap3A_510, %swap3A_511] {strides = array<i32>} : memref<51x512xf32, #tpu.memory_space<vmem>>, vector<16xf32>,
      tpu.vector_store %arg7[%swap3A_510, %swap3A_511], %gather3A_506 {strides = array<i32>} : memref<51x512xf32, #tpu.memory_space<vmem>>, vector<16xf32>,
      %add3A_513 = arith.constant 10 : i32
      %add3A_514 = vector.broadcast %add3A_513 : i32 to vector<16xi32>
      %add3A_515 = arith.addi %and3A_412, %add3A_514 : vector<16xi32>
      %gather3A_516 = tpu.vector_load_idx %arg6[%shift_right_logical3A_409, %add3A_515] : memref<136x128xf32, #tpu.memory_space<vmem>>[vector<16xi32>, vector<16xi32>], vector<16xf32>,
      %mul3A_517 = arith.constant 16 : i32
      %mul3A_518 = arith.muli %scan3A_8, %mul3A_517 : i32
      %swap3A_519 = arith.constant 42 : i32
      %swap3A_520 = arith.index_cast %swap3A_519 : i32 to index
      %swap3A_521 = arith.index_cast %mul3A_518 : i32 to index
      %swap3A_522 = tpu.vector_load %arg7[%swap3A_520, %swap3A_521] {strides = array<i32>} : memref<51x512xf32, #tpu.memory_space<vmem>>, vector<16xf32>,
      tpu.vector_store %arg7[%swap3A_520, %swap3A_521], %gather3A_516 {strides = array<i32>} : memref<51x512xf32, #tpu.memory_space<vmem>>, vector<16xf32>,
      %add3A_523 = arith.constant 11 : i32
      %add3A_524 = vector.broadcast %add3A_523 : i32 to vector<16xi32>
      %add3A_525 = arith.addi %and3A_412, %add3A_524 : vector<16xi32>
      %gather3A_526 = tpu.vector_load_idx %arg6[%shift_right_logical3A_409, %add3A_525] : memref<136x128xf32, #tpu.memory_space<vmem>>[vector<16xi32>, vector<16xi32>], vector<16xf32>,
      %mul3A_527 = arith.constant 16 : i32
      %mul3A_528 = arith.muli %scan3A_8, %mul3A_527 : i32
      %swap3A_529 = arith.constant 43 : i32
      %swap3A_530 = arith.index_cast %swap3A_529 : i32 to index
      %swap3A_531 = arith.index_cast %mul3A_528 : i32 to index
      %swap3A_532 = tpu.vector_load %arg7[%swap3A_530, %swap3A_531] {strides = array<i32>} : memref<51x512xf32, #tpu.memory_space<vmem>>, vector<16xf32>,
      tpu.vector_store %arg7[%swap3A_530, %swap3A_531], %gather3A_526 {strides = array<i32>} : memref<51x512xf32, #tpu.memory_space<vmem>>, vector<16xf32>,
      %add3A_533 = arith.constant 12 : i32
      %add3A_534 = vector.broadcast %add3A_533 : i32 to vector<16xi32>
      %add3A_535 = arith.addi %and3A_412, %add3A_534 : vector<16xi32>
      %gather3A_536 = tpu.vector_load_idx %arg6[%shift_right_logical3A_409, %add3A_535] : memref<136x128xf32, #tpu.memory_space<vmem>>[vector<16xi32>, vector<16xi32>], vector<16xf32>,
      %mul3A_537 = arith.constant 16 : i32
      %mul3A_538 = arith.muli %scan3A_8, %mul3A_537 : i32
      %swap3A_539 = arith.constant 44 : i32
      %swap3A_540 = arith.index_cast %swap3A_539 : i32 to index
      %swap3A_541 = arith.index_cast %mul3A_538 : i32 to index
      %swap3A_542 = tpu.vector_load %arg7[%swap3A_540, %swap3A_541] {strides = array<i32>} : memref<51x512xf32, #tpu.memory_space<vmem>>, vector<16xf32>,
      tpu.vector_store %arg7[%swap3A_540, %swap3A_541], %gather3A_536 {strides = array<i32>} : memref<51x512xf32, #tpu.memory_space<vmem>>, vector<16xf32>,
      %add3A_543 = arith.constant 13 : i32
      %add3A_544 = vector.broadcast %add3A_543 : i32 to vector<16xi32>
      %add3A_545 = arith.addi %and3A_412, %add3A_544 : vector<16xi32>
      %gather3A_546 = tpu.vector_load_idx %arg6[%shift_right_logical3A_409, %add3A_545] : memref<136x128xf32, #tpu.memory_space<vmem>>[vector<16xi32>, vector<16xi32>], vector<16xf32>,
      %mul3A_547 = arith.constant 16 : i32
      %mul3A_548 = arith.muli %scan3A_8, %mul3A_547 : i32
      %swap3A_549 = arith.constant 45 : i32
      %swap3A_550 = arith.index_cast %swap3A_549 : i32 to index
      %swap3A_551 = arith.index_cast %mul3A_548 : i32 to index
      %swap3A_552 = tpu.vector_load %arg7[%swap3A_550, %swap3A_551] {strides = array<i32>} : memref<51x512xf32, #tpu.memory_space<vmem>>, vector<16xf32>,
      tpu.vector_store %arg7[%swap3A_550, %swap3A_551], %gather3A_546 {strides = array<i32>} : memref<51x512xf32, #tpu.memory_space<vmem>>, vector<16xf32>,
      %add3A_553 = arith.constant 14 : i32
      %add3A_554 = vector.broadcast %add3A_553 : i32 to vector<16xi32>
      %add3A_555 = arith.addi %and3A_412, %add3A_554 : vector<16xi32>
      %gather3A_556 = tpu.vector_load_idx %arg6[%shift_right_logical3A_409, %add3A_555] : memref<136x128xf32, #tpu.memory_space<vmem>>[vector<16xi32>, vector<16xi32>], vector<16xf32>,
      %mul3A_557 = arith.constant 16 : i32
      %mul3A_558 = arith.muli %scan3A_8, %mul3A_557 : i32
      %swap3A_559 = arith.constant 46 : i32
      %swap3A_560 = arith.index_cast %swap3A_559 : i32 to index
      %swap3A_561 = arith.index_cast %mul3A_558 : i32 to index
      %swap3A_562 = tpu.vector_load %arg7[%swap3A_560, %swap3A_561] {strides = array<i32>} : memref<51x512xf32, #tpu.memory_space<vmem>>, vector<16xf32>,
      tpu.vector_store %arg7[%swap3A_560, %swap3A_561], %gather3A_556 {strides = array<i32>} : memref<51x512xf32, #tpu.memory_space<vmem>>, vector<16xf32>,
      %add3A_563 = arith.constant 15 : i32
      %add3A_564 = vector.broadcast %add3A_563 : i32 to vector<16xi32>
      %add3A_565 = arith.addi %and3A_412, %add3A_564 : vector<16xi32>
      %gather3A_566 = tpu.vector_load_idx %arg6[%shift_right_logical3A_409, %add3A_565] : memref<136x128xf32, #tpu.memory_space<vmem>>[vector<16xi32>, vector<16xi32>], vector<16xf32>,
      %mul3A_567 = arith.constant 16 : i32
      %mul3A_568 = arith.muli %scan3A_8, %mul3A_567 : i32
      %swap3A_569 = arith.constant 47 : i32
      %swap3A_570 = arith.index_cast %swap3A_569 : i32 to index
      %swap3A_571 = arith.index_cast %mul3A_568 : i32 to index
      %swap3A_572 = tpu.vector_load %arg7[%swap3A_570, %swap3A_571] {strides = array<i32>} : memref<51x512xf32, #tpu.memory_space<vmem>>, vector<16xf32>,
      tpu.vector_store %arg7[%swap3A_570, %swap3A_571], %gather3A_566 {strides = array<i32>} : memref<51x512xf32, #tpu.memory_space<vmem>>, vector<16xf32>,
      %add3A_573 = arith.constant 17392 : i32
      %add3A_574 = vector.broadcast %add3A_573 : i32 to vector<16xi32>
      %add3A_575 = arith.addi %get3A_400, %add3A_574 : vector<16xi32>
      %shift_right_logical3A_576 = arith.constant 7 : i32
      %shift_right_logical3A_577 = vector.broadcast %shift_right_logical3A_576 : i32 to vector<16xi32>
      %shift_right_logical3A_578 = arith.shrui %add3A_575, %shift_right_logical3A_577 : vector<16xi32>
      %and3A_579 = arith.constant 127 : i32
      %and3A_580 = vector.broadcast %and3A_579 : i32 to vector<16xi32>
      %and3A_581 = arith.andi %add3A_575, %and3A_580 : vector<16xi32>
      %gather3A_582 = tpu.vector_load_idx %arg6[%shift_right_logical3A_578, %and3A_581] : memref<136x128xf32, #tpu.memory_space<vmem>>[vector<16xi32>, vector<16xi32>], vector<16xf32>,
      %mul3A_583 = arith.constant 16 : i32
      %mul3A_584 = arith.muli %scan3A_8, %mul3A_583 : i32
      %swap3A_585 = arith.constant 50 : i32
      %swap3A_586 = arith.index_cast %swap3A_585 : i32 to index
      %swap3A_587 = arith.index_cast %mul3A_584 : i32 to index
      %swap3A_588 = tpu.vector_load %arg7[%swap3A_586, %swap3A_587] {strides = array<i32>} : memref<51x512xf32, #tpu.memory_space<vmem>>, vector<16xf32>,
      tpu.vector_store %arg7[%swap3A_586, %swap3A_587], %gather3A_582 {strides = array<i32>} : memref<51x512xf32, #tpu.memory_space<vmem>>, vector<16xf32>,
    }
    %scan3A_5 = arith.constant 32 : i32
    %mul3A_6 = arith.constant 512 : i32
    %mul3A_7 = arith.muli %add3A, %mul3A_6 : i32
    "tpu.region"() ({
      %run_scoped3A = tpu.sem_alloc : memref<!tpu.dma_semaphore, #tpu.memory_space<semaphore_mem>>
      %dma_start3A = arith.constant 0 : i32
      %dma_start3A_8 = tpu.memref_slice %arg4[%dma_start3A, %mul3A_7] : memref<51x16384xf32, #tpu.memory_space<hbm>> -> memref<51x512xf32, #tpu.memory_space<hbm>>
      %dma_start3A_9 = arith.constant 0 : i32
      %dma_start3A_10 = tpu.memref_slice %arg4[%dma_start3A_9, %mul3A_7] : memref<51x16384xf32, #tpu.memory_space<hbm>> -> memref<51x512xf32, #tpu.memory_space<hbm>>
      tpu.enqueue_dma source(%arg7 : memref<51x512xf32, #tpu.memory_space<vmem>>) target(%dma_start3A_10 : memref<51x512xf32, #tpu.memory_space<hbm>>) target_semaphore(%run_scoped3A : memref<!tpu.dma_semaphore, #tpu.memory_space<semaphore_mem>>)
      %dma_wait3A = arith.constant 0 : i32
      %dma_wait3A_11 = tpu.memref_slice %arg4[%dma_wait3A, %mul3A_7] : memref<51x16384xf32, #tpu.memory_space<hbm>> -> memref<51x512xf32, #tpu.memory_space<hbm>>
      %dma_wait3A_12 = arith.constant 0 : i32
      %dma_wait3A_13 = tpu.memref_slice %arg4[%dma_wait3A_12, %mul3A_7] : memref<51x16384xf32, #tpu.memory_space<hbm>> -> memref<51x512xf32, #tpu.memory_space<hbm>>
      tpu.wait_dma2 semaphore(%run_scoped3A : memref<!tpu.dma_semaphore, #tpu.memory_space<semaphore_mem>>) src(%arg7 : memref<51x512xf32, #tpu.memory_space<vmem>>) dst(%dma_wait3A_13 : memref<51x512xf32, #tpu.memory_space<hbm>>)
      tpu.yield
    }) : () -> ()
    return
  }
}

module attributes {stable_mosaic.version = 14 : i64} {
  func.func @_mlp_body(%arg0: i32, %arg1: memref<4096x19xf32, #tpu.memory_space<vmem>>, %arg2: memref<51x4096xf32, #tpu.memory_space<vmem>>, %arg3: memref<64x128xf32, #tpu.memory_space<vmem>>, %arg4: memref<1x128xf32, #tpu.memory_space<vmem>>, %arg5: memref<128x32xf32, #tpu.memory_space<vmem>>, %arg6: memref<1x32xf32, #tpu.memory_space<vmem>>, %arg7: memref<32x16xf32, #tpu.memory_space<vmem>>, %arg8: memref<1x16xf32, #tpu.memory_space<vmem>>, %arg9: memref<16x8xf32, #tpu.memory_space<vmem>>, %arg10: memref<1x8xf32, #tpu.memory_space<vmem>>, %arg11: memref<8x8xf32, #tpu.memory_space<vmem>>, %arg12: memref<1x8xf32, #tpu.memory_space<vmem>>, %arg13: memref<4096x8xf32, #tpu.memory_space<vmem>>) attributes {dimension_semantics = [#tpu.dimension_semantics<arbitrary>], iteration_bounds = array<i64: 4>, scalar_prefetch = 0 : i64, scratch_operands = 0 : i64, tpu.core_type = #tpu.core_type<tc>, window_params = [{transform_indices = @transform_0, window_bounds = array<i64: 4096, 19>}, {transform_indices = @transform_1, window_bounds = array<i64: 51, 4096>}, {pipeline_mode = #tpu.pipeline_mode<synchronous>, transform_indices = @transform_2, window_bounds = array<i64: 64, 128>}, {pipeline_mode = #tpu.pipeline_mode<synchronous>, transform_indices = @transform_3, window_bounds = array<i64: 1, 128>}, {pipeline_mode = #tpu.pipeline_mode<synchronous>, transform_indices = @transform_4, window_bounds = array<i64: 128, 32>}, {pipeline_mode = #tpu.pipeline_mode<synchronous>, transform_indices = @transform_5, window_bounds = array<i64: 1, 32>}, {pipeline_mode = #tpu.pipeline_mode<synchronous>, transform_indices = @transform_6, window_bounds = array<i64: 32, 16>}, {pipeline_mode = #tpu.pipeline_mode<synchronous>, transform_indices = @transform_7, window_bounds = array<i64: 1, 16>}, {pipeline_mode = #tpu.pipeline_mode<synchronous>, transform_indices = @transform_8, window_bounds = array<i64: 16, 8>}, {pipeline_mode = #tpu.pipeline_mode<synchronous>, transform_indices = @transform_9, window_bounds = array<i64: 1, 8>}, {pipeline_mode = #tpu.pipeline_mode<synchronous>, transform_indices = @transform_10, window_bounds = array<i64: 8, 8>}, {pipeline_mode = #tpu.pipeline_mode<synchronous>, transform_indices = @transform_11, window_bounds = array<i64: 1, 8>}, {transform_indices = @transform_12, window_bounds = array<i64: 4096, 8>}]} {
    %get3A = arith.constant 0 : index
    %get3A_0 = arith.constant 3 : index
    %get3A_1 = vector.load %arg1[%get3A, %get3A_0] : memref<4096x19xf32, #tpu.memory_space<vmem>>, vector<4096x16xf32>
    %get3A_2 = arith.constant 0 : index
    %get3A_3 = arith.constant 0 : index
    %get3A_4 = vector.load %arg3[%get3A_2, %get3A_3] : memref<64x128xf32, #tpu.memory_space<vmem>>, vector<48x128xf32>
    %reduce_sum3A = arith.constant dense<0.000000e+00> : vector<128xf32>
    %reduce_sum3A_5 = vector.multi_reduction <add>, %get3A_4, %reduce_sum3A [0] : vector<48x128xf32> to vector<128xf32>
    %broadcast_in_dim3A = vector.shape_cast %reduce_sum3A_5 : vector<128xf32> to vector<1x128xf32>
    %concatenate3A = tpu.concatenate %get3A_4, %broadcast_in_dim3A, %broadcast_in_dim3A, %broadcast_in_dim3A in 0 : vector<48x128xf32>, vector<1x128xf32>, vector<1x128xf32>, vector<1x128xf32> -> vector<51x128xf32>
    %get3A_6 = arith.constant 0 : index
    %get3A_7 = arith.constant 0 : index
    %get3A_8 = vector.load %arg2[%get3A_6, %get3A_7] : memref<51x4096xf32, #tpu.memory_space<vmem>>, vector<51x4096xf32>
    %dot_general3A = arith.constant dense<0.000000e+00> : vector<4096x128xf32>
    %dot_general3A_9 = tpu.matmul %get3A_8, %concatenate3A, %dot_general3A {dimension_numbers = #tpu.dot_dimension_numbers<[0], [0], [1], [1], [0, 1, 1, 1], [], []>, transpose_lhs_hint = false} : vector<51x4096xf32>, vector<51x128xf32>, vector<4096x128xf32> -> vector<4096x128xf32>
    %get3A_10 = arith.constant 48 : index
    %get3A_11 = arith.constant 0 : index
    %get3A_12 = vector.load %arg3[%get3A_10, %get3A_11] : memref<64x128xf32, #tpu.memory_space<vmem>>, vector<16x128xf32>
    %dot_general3A_13 = arith.constant dense<0.000000e+00> : vector<4096x128xf32>
    %dot_general3A_14 = tpu.matmul %get3A_1, %get3A_12, %dot_general3A_13 {dimension_numbers = #tpu.dot_dimension_numbers<[1], [0], [0], [1], [0, 0, 1, 1], [], []>, transpose_lhs_hint = false} : vector<4096x16xf32>, vector<16x128xf32>, vector<4096x128xf32> -> vector<4096x128xf32>
    %add3A = arith.addf %dot_general3A_9, %dot_general3A_14 : vector<4096x128xf32>
    %get3A_15 = arith.constant 0 : index
    %get3A_16 = arith.constant 0 : index
    %get3A_17 = vector.load %arg4[%get3A_15, %get3A_16] : memref<1x128xf32, #tpu.memory_space<vmem>>, vector<1x128xf32>
    %add3A_18 = vector.broadcast %get3A_17 : vector<1x128xf32> to vector<4096x128xf32>
    %add3A_19 = arith.addf %add3A, %add3A_18 : vector<4096x128xf32>
    %max3A = arith.constant 0.000000e+00 : f32
    %max3A_20 = vector.broadcast %max3A : f32 to vector<4096x128xf32>
    %max3A_21 = arith.maximumf %add3A_19, %max3A_20 : vector<4096x128xf32>
    %get3A_22 = arith.constant 0 : index
    %get3A_23 = arith.constant 0 : index
    %get3A_24 = vector.load %arg5[%get3A_22, %get3A_23] : memref<128x32xf32, #tpu.memory_space<vmem>>, vector<128x32xf32>
    %dot_general3A_25 = arith.constant dense<0.000000e+00> : vector<4096x32xf32>
    %dot_general3A_26 = tpu.matmul %max3A_21, %get3A_24, %dot_general3A_25 {dimension_numbers = #tpu.dot_dimension_numbers<[1], [0], [0], [1], [0, 0, 1, 1], [], []>, transpose_lhs_hint = false} : vector<4096x128xf32>, vector<128x32xf32>, vector<4096x32xf32> -> vector<4096x32xf32>
    %get3A_27 = arith.constant 0 : index
    %get3A_28 = arith.constant 0 : index
    %get3A_29 = vector.load %arg6[%get3A_27, %get3A_28] : memref<1x32xf32, #tpu.memory_space<vmem>>, vector<1x32xf32>
    %add3A_30 = vector.broadcast %get3A_29 : vector<1x32xf32> to vector<4096x32xf32>
    %add3A_31 = arith.addf %dot_general3A_26, %add3A_30 : vector<4096x32xf32>
    %max3A_32 = arith.constant 0.000000e+00 : f32
    %max3A_33 = vector.broadcast %max3A_32 : f32 to vector<4096x32xf32>
    %max3A_34 = arith.maximumf %add3A_31, %max3A_33 : vector<4096x32xf32>
    %get3A_35 = arith.constant 0 : index
    %get3A_36 = arith.constant 0 : index
    %get3A_37 = vector.load %arg7[%get3A_35, %get3A_36] : memref<32x16xf32, #tpu.memory_space<vmem>>, vector<32x16xf32>
    %dot_general3A_38 = arith.constant dense<0.000000e+00> : vector<4096x16xf32>
    %dot_general3A_39 = tpu.matmul %max3A_34, %get3A_37, %dot_general3A_38 {dimension_numbers = #tpu.dot_dimension_numbers<[1], [0], [0], [1], [0, 0, 1, 1], [], []>, transpose_lhs_hint = false} : vector<4096x32xf32>, vector<32x16xf32>, vector<4096x16xf32> -> vector<4096x16xf32>
    %get3A_40 = arith.constant 0 : index
    %get3A_41 = arith.constant 0 : index
    %get3A_42 = vector.load %arg8[%get3A_40, %get3A_41] : memref<1x16xf32, #tpu.memory_space<vmem>>, vector<1x16xf32>
    %add3A_43 = vector.broadcast %get3A_42 : vector<1x16xf32> to vector<4096x16xf32>
    %add3A_44 = arith.addf %dot_general3A_39, %add3A_43 : vector<4096x16xf32>
    %max3A_45 = arith.constant 0.000000e+00 : f32
    %max3A_46 = vector.broadcast %max3A_45 : f32 to vector<4096x16xf32>
    %max3A_47 = arith.maximumf %add3A_44, %max3A_46 : vector<4096x16xf32>
    %get3A_48 = arith.constant 0 : index
    %get3A_49 = arith.constant 0 : index
    %get3A_50 = vector.load %arg9[%get3A_48, %get3A_49] : memref<16x8xf32, #tpu.memory_space<vmem>>, vector<16x8xf32>
    %dot_general3A_51 = arith.constant dense<0.000000e+00> : vector<4096x8xf32>
    %dot_general3A_52 = tpu.matmul %max3A_47, %get3A_50, %dot_general3A_51 {dimension_numbers = #tpu.dot_dimension_numbers<[1], [0], [0], [1], [0, 0, 1, 1], [], []>, transpose_lhs_hint = false} : vector<4096x16xf32>, vector<16x8xf32>, vector<4096x8xf32> -> vector<4096x8xf32>
    %get3A_53 = arith.constant 0 : index
    %get3A_54 = arith.constant 0 : index
    %get3A_55 = vector.load %arg10[%get3A_53, %get3A_54] : memref<1x8xf32, #tpu.memory_space<vmem>>, vector<1x8xf32>
    %add3A_56 = vector.broadcast %get3A_55 : vector<1x8xf32> to vector<4096x8xf32>
    %add3A_57 = arith.addf %dot_general3A_52, %add3A_56 : vector<4096x8xf32>
    %max3A_58 = arith.constant 0.000000e+00 : f32
    %max3A_59 = vector.broadcast %max3A_58 : f32 to vector<4096x8xf32>
    %max3A_60 = arith.maximumf %add3A_57, %max3A_59 : vector<4096x8xf32>
    %get3A_61 = arith.constant 0 : index
    %get3A_62 = arith.constant 0 : index
    %get3A_63 = vector.load %arg11[%get3A_61, %get3A_62] : memref<8x8xf32, #tpu.memory_space<vmem>>, vector<8x8xf32>
    %dot_general3A_64 = arith.constant dense<0.000000e+00> : vector<4096x8xf32>
    %dot_general3A_65 = tpu.matmul %max3A_60, %get3A_63, %dot_general3A_64 {dimension_numbers = #tpu.dot_dimension_numbers<[1], [0], [0], [1], [0, 0, 1, 1], [], []>, transpose_lhs_hint = false} : vector<4096x8xf32>, vector<8x8xf32>, vector<4096x8xf32> -> vector<4096x8xf32>
    %get3A_66 = arith.constant 0 : index
    %get3A_67 = arith.constant 0 : index
    %get3A_68 = vector.load %arg12[%get3A_66, %get3A_67] : memref<1x8xf32, #tpu.memory_space<vmem>>, vector<1x8xf32>
    %add3A_69 = vector.broadcast %get3A_68 : vector<1x8xf32> to vector<4096x8xf32>
    %add3A_70 = arith.addf %dot_general3A_65, %add3A_69 : vector<4096x8xf32>
    %reduce_max3A = arith.constant dense<0xFF800000> : vector<4096xf32>
    %reduce_max3A_71 = vector.multi_reduction <maximumf>, %add3A_70, %reduce_max3A [1] : vector<4096x8xf32> to vector<4096xf32>
    %broadcast_in_dim3A_72 = vector.shape_cast %reduce_max3A_71 : vector<4096xf32> to vector<4096x1xf32>
    %sub3A = vector.broadcast %broadcast_in_dim3A_72 : vector<4096x1xf32> to vector<4096x8xf32>
    %sub3A_73 = arith.subf %add3A_70, %sub3A : vector<4096x8xf32>
    %exp3A = math.exp %sub3A_73 : vector<4096x8xf32>
    %reduce_sum3A_74 = arith.constant dense<0.000000e+00> : vector<4096xf32>
    %reduce_sum3A_75 = vector.multi_reduction <add>, %exp3A, %reduce_sum3A_74 [1] : vector<4096x8xf32> to vector<4096xf32>
    %broadcast_in_dim3A_76 = vector.shape_cast %reduce_sum3A_75 : vector<4096xf32> to vector<4096x1xf32>
    %div3A = vector.broadcast %broadcast_in_dim3A_76 : vector<4096x1xf32> to vector<4096x8xf32>
    %div3A_77 = arith.divf %exp3A, %div3A : vector<4096x8xf32>
    %swap3A = arith.constant 0 : index
    %swap3A_78 = arith.constant 0 : index
    %swap3A_79 = vector.load %arg13[%swap3A, %swap3A_78] : memref<4096x8xf32, #tpu.memory_space<vmem>>, vector<4096x8xf32>
    tpu.vector_store %arg13[%swap3A, %swap3A_78], %div3A_77 {strides = array<i32>} : memref<4096x8xf32, #tpu.memory_space<vmem>>, vector<4096x8xf32>,
    return
  }
  func.func @transform_0(%arg0: i32) -> (i32, i32) {
    %c0_i32 = arith.constant 0 : i32
    %c0_i32_0 = arith.constant 0 : i32
    return %arg0, %c0_i32 : i32, i32
  }
  func.func @transform_1(%arg0: i32) -> (i32, i32) {
    %c0_i32 = arith.constant 0 : i32
    %c0_i32_0 = arith.constant 0 : i32
    return %c0_i32, %arg0 : i32, i32
  }
  func.func @transform_2(%arg0: i32) -> (i32, i32) {
    %c0_i32 = arith.constant 0 : i32
    %c0_i32_0 = arith.constant 0 : i32
    %c0_i32_1 = arith.constant 0 : i32
    return %c0_i32, %c0_i32_0 : i32, i32
  }
  func.func @transform_3(%arg0: i32) -> (i32, i32) {
    %c0_i32 = arith.constant 0 : i32
    %c0_i32_0 = arith.constant 0 : i32
    %c0_i32_1 = arith.constant 0 : i32
    return %c0_i32, %c0_i32_0 : i32, i32
  }
  func.func @transform_4(%arg0: i32) -> (i32, i32) {
    %c0_i32 = arith.constant 0 : i32
    %c0_i32_0 = arith.constant 0 : i32
    %c0_i32_1 = arith.constant 0 : i32
    return %c0_i32, %c0_i32_0 : i32, i32
  }
  func.func @transform_5(%arg0: i32) -> (i32, i32) {
    %c0_i32 = arith.constant 0 : i32
    %c0_i32_0 = arith.constant 0 : i32
    %c0_i32_1 = arith.constant 0 : i32
    return %c0_i32, %c0_i32_0 : i32, i32
  }
  func.func @transform_6(%arg0: i32) -> (i32, i32) {
    %c0_i32 = arith.constant 0 : i32
    %c0_i32_0 = arith.constant 0 : i32
    %c0_i32_1 = arith.constant 0 : i32
    return %c0_i32, %c0_i32_0 : i32, i32
  }
  func.func @transform_7(%arg0: i32) -> (i32, i32) {
    %c0_i32 = arith.constant 0 : i32
    %c0_i32_0 = arith.constant 0 : i32
    %c0_i32_1 = arith.constant 0 : i32
    return %c0_i32, %c0_i32_0 : i32, i32
  }
  func.func @transform_8(%arg0: i32) -> (i32, i32) {
    %c0_i32 = arith.constant 0 : i32
    %c0_i32_0 = arith.constant 0 : i32
    %c0_i32_1 = arith.constant 0 : i32
    return %c0_i32, %c0_i32_0 : i32, i32
  }
  func.func @transform_9(%arg0: i32) -> (i32, i32) {
    %c0_i32 = arith.constant 0 : i32
    %c0_i32_0 = arith.constant 0 : i32
    %c0_i32_1 = arith.constant 0 : i32
    return %c0_i32, %c0_i32_0 : i32, i32
  }
  func.func @transform_10(%arg0: i32) -> (i32, i32) {
    %c0_i32 = arith.constant 0 : i32
    %c0_i32_0 = arith.constant 0 : i32
    %c0_i32_1 = arith.constant 0 : i32
    return %c0_i32, %c0_i32_0 : i32, i32
  }
  func.func @transform_11(%arg0: i32) -> (i32, i32) {
    %c0_i32 = arith.constant 0 : i32
    %c0_i32_0 = arith.constant 0 : i32
    %c0_i32_1 = arith.constant 0 : i32
    return %c0_i32, %c0_i32_0 : i32, i32
  }
  func.func @transform_12(%arg0: i32) -> (i32, i32) {
    %c0_i32 = arith.constant 0 : i32
    %c0_i32_0 = arith.constant 0 : i32
    return %arg0, %c0_i32 : i32, i32
  }
}

</mosaic_0001>

<sc_bundles>
// kernel: kernel.4.cloned.1.call-start
scs
__scs_entry_jumppad:
0x0: {  	(pc) =	sbr.rel $0x88, $3  }
0x1: {  	(tag) =	ssettag $0x0;
	lr =	simm.s32 $0x1  }
0x2: {  	[smem:$0x3F90] =	sst lr;
	_ =	strace $0xD0000000  }
0x3: {  	_ = 	snop  }
0x4: {  	_ = 	snop  }
0x5: {  	_ = 	snop  }
0x6: {  	_ = 	snop  }
0x7: {  	_ = 	snop  }
__scs_overlays_trampoline_lowered:
0x8: {  	[smem:$0x3F9F] =	sst s0  }
0x9: {  	[smem:$0x3FA0] =	sst s1  }
0xa: {  	[smem:$0x3FA1] =	sst s2  }
0xb: {  	[smem:$0x3FA2] =	sst s3  }
0xc: {  	[smem:$0x3FA3] =	sst s4  }
0xd: {  	[smem:$0x3FA4] =	sst s5  }
0xe: {  	[smem:$0x3FA5] =	sst s6  }
0xf: {  	[smem:$0x3FA6] =	sst s7  }
0x10: {  	[smem:$0x3FA7] =	sst s8  }
0x11: {  	[smem:$0x3FA8] =	sst s9;
	s0 =	simm.s32 @!p0 $0x0  }
0x12: {  	s1 =	sld [smem:$0x3F8E];
	s0 =	simm.s32 @p0 $0x1  }
0x13: {  	[smem:$0x3FA9] =	sst s0;
	s0 =	simm.s32 @!p1 $0x0  }
0x14: {  	s2 =	sld [smem:$0x3F8D];
	s0 =	simm.s32 @p1 $0x1  }
0x15: {  	[smem:$0x3FAA] =	sst s0;
	s0 =	simm.s32 @!p2 $0x0  }
0x16: {  	s3 =	sld [smem:$0x3FDB];
	s0 =	simm.s32 @p2 $0x1  }
0x17: {  	s4 =	simm.s32 $0x1BF5;
	[smem:$0x3FAC] =	sst s0  }
0x18: {  	s0 =	sld [smem:$0x3F8F];
	_ =	swait.ge [sflag:s4], $0x0  }
0x19: {  	s7 =	sld [smem:$0x3F90]  }
0x1a: {  	s8 =	sadd.s32 $0xFFFFE003, lr  }
0x1b: {  	s9 =	sadd.s32 $0xFFFFFEF7, lr;
	s5 =	simm.s32 $0xFFFFFFFF;
	p2 =	slt.u32 s8, $0xFFFFF086  }
0x1c: {  	p1 =	slt.u32 s9, $0xF7A;
	s5 =	simm.s32 @!p2 $0x0  }
0x1d: {  	s5 =	simm.s32 @p1 $0x1;
	p0 =	seq.s32 s7, s2  }
0x1e: {  	s7 =	smul.u32 @!p0 $0xF7A, s2;
	p2 =	seq.s32 @!p0 s5, $0x0  }
0x1f: {  	s9 =	smul.u32 $0xF7A, s1;
	s8 =	simm.s32 @!p0 $0x1BF5;
	p2 =	por !p2, p0  }
0x20: {  	[sflag:s8] =	ssyncset.s32 @!p0 $0xFFFFF086;
	s6 =	sadd.s32 @!p0 s3, s7;
	s7 =	simm.s32 @!p0 $0x108  }
0x21: {  	s3 =	sadd.s32 s3, s9;
	s6 =	sadd.s32 @!p0 $0x88, s6;
	s7 =	simm.s32 @p2 $0x1082  }
0x22: {  	[simem:s7], [sflag:s8] =	dma.local @!p0 [hbm:s6], $0xF7A  }
0x23: {  	s9 =	sor.u32 $0xD0000000, s2;
	s6 =	simm.s32 $0x108;
	_ =	swait.ge @!p0 [sflag:s8], $0x0  }
0x24: {  	s3 =	sadd.s32 $0x88, s3;
	s6 =	simm.s32 @!p1 $0x1082;
	[sflag:s4] =	ssyncset.s32 $0xFFFFF086  }
0x25: {  	[simem:s6], [sflag:s4] =	dma.local [hbm:s3], $0xF7A  }
0x26: {  	[smem:$0x3F90] =	sst s1;
	(tag) =	ssettag s2;
	_ =	strace s9  }
0x27: {  	s1 =	sld [smem:$0x3FA0]  }
0x28: {  	s2 =	sld [smem:$0x3FA1]  }
0x29: {  	s4 =	sld [smem:$0x3FA3]  }
0x2a: {  	p0 =	seq.s32 s5, $0x0;
	s5 =	sld [smem:$0x3FA4]  }
0x2b: {  	s6 =	sld [smem:$0x3FA5]  }
0x2c: {  	s7 =	sld [smem:$0x3FA6]  }
0x2d: {  	s3 =	simm.s32 $0x108;
	s8 =	sld [smem:$0x3FA7]  }
0x2e: {  	s3 =	simm.s32 @!p0 $0x1082;
	s9 =	sld [smem:$0x3FA8]  }
0x2f: {  	lr =	sadd.s32 s0, s3;
	s0 =	sld [smem:$0x3F9F]  }
0x30: {  	s3 =	sld [smem:$0x3FA2]  }
0x31: {  	[smem:$0x3FAB] =	sst s10  }
0x32: {  	s10 =	sld [smem:$0x3FA9];
	_ =	sdelay $0x3  }
0x33: {  	p0 =	seq.s32 s10, $0x1;
	s10 =	sld [smem:$0x3FAB];
	_ =	sdelay $0x3  }
0x34: {  	[smem:$0x3FAB] =	sst s10  }
0x35: {  	s10 =	sld [smem:$0x3FAA];
	_ =	sdelay $0x3  }
0x36: {  	p1 =	seq.s32 s10, $0x1;
	s10 =	sld [smem:$0x3FAB];
	_ =	sdelay $0x3  }
0x37: {  	[smem:$0x3FAB] =	sst s10  }
0x38: {  	s10 =	sld [smem:$0x3FAC]  }
0x39: {  	_ = 	snop;
	(pc) =	sbr.ind lr, $3  }
0x3a: {  	_ = 	snop  }
0x3b: {  	_ = 	snop  }
0x3c: {  	p2 =	seq.s32 s10, $0x1;
	s10 =	sld [smem:$0x3FAB]  }
0x3d: {  	_ =	shalt  }
0x3e: {  	_ =	shalt  }
0x3f: {  	_ =	shalt  }
0x40: {  	_ =	shalt  }
0x41: {  	_ =	shalt  }
0x42: {  	_ =	shalt  }
0x43: {  	_ =	shalt  }
0x44: {  	_ =	shalt  }
0x45: {  	_ =	shalt  }
0x46: {  	_ =	shalt  }
0x47: {  	_ =	shalt  }
0x48: {  	_ =	shalt  }
0x49: {  	_ =	shalt  }
0x4a: {  	_ =	shalt  }
0x4b: {  	_ =	shalt  }
0x4c: {  	_ =	shalt  }
0x4d: {  	_ =	shalt  }
0x4e: {  	_ =	shalt  }
0x4f: {  	_ =	shalt  }
0x50: {  	_ =	shalt  }
0x51: {  	_ =	shalt  }
0x52: {  	_ =	shalt  }
0x53: {  	_ =	shalt  }
0x54: {  	_ =	shalt  }
0x55: {  	_ =	shalt  }
0x56: {  	_ =	shalt  }
0x57: {  	_ =	shalt  }
0x58: {  	_ =	shalt  }
0x59: {  	_ =	shalt  }
0x5a: {  	_ =	shalt  }
0x5b: {  	_ =	shalt  }
0x5c: {  	_ =	shalt  }
0x5d: {  	_ =	shalt  }
0x5e: {  	_ =	shalt  }
0x5f: {  	_ =	shalt  }
0x60: {  	_ =	shalt  }
0x61: {  	_ =	shalt  }
0x62: {  	_ =	shalt  }
0x63: {  	_ =	shalt  }
0x64: {  	_ =	shalt  }
0x65: {  	_ =	shalt  }
0x66: {  	_ =	shalt  }
0x67: {  	_ =	shalt  }
0x68: {  	_ =	shalt  }
0x69: {  	_ =	shalt  }
0x6a: {  	_ =	shalt  }
0x6b: {  	_ =	shalt  }
0x6c: {  	_ =	shalt  }
0x6d: {  	_ =	shalt  }
0x6e: {  	_ =	shalt  }
0x6f: {  	_ =	shalt  }
0x70: {  	_ =	shalt  }
0x71: {  	_ =	shalt  }
0x72: {  	_ =	shalt  }
0x73: {  	_ =	shalt  }
0x74: {  	_ =	shalt  }
0x75: {  	_ =	shalt  }
0x76: {  	_ =	shalt  }
0x77: {  	_ =	shalt  }
0x78: {  	_ =	shalt  }
0x79: {  	_ =	shalt  }
0x7a: {  	_ =	shalt  }
0x7b: {  	_ =	shalt  }
0x7c: {  	_ =	shalt  }
0x7d: {  	_ =	shalt  }
0x7e: {  	_ =	shalt  }
0x7f: {  	_ =	shalt  }
0x80: {  	_ =	shalt  }
0x81: {  	_ =	shalt  }
0x82: {  	_ =	shalt  }
0x83: {  	_ =	shalt  }
0x84: {  	_ =	shalt  }
0x85: {  	_ =	shalt  }
0x86: {  	_ =	shalt  }
0x87: {  	_ =	shalt  }
.Lfunc_end0:
.L_simem_size_0:
called_computation_lowered:
.L_overlay_start_0:
0x88: {  	s2 =	sld [smem:$0x3FD9]  }
0x89: {  	s3 =	sld [smem:$0x3FFE];
	_ =	sdelay $0x1  }
0x8a: {  	s1 =	srdreg.scid  }
0x8b: {  	s0 =	sand.u32 $0x1, s1  }
0x8c: {  	s17 =	sshll.u32 s0, $0xA;
	s2 =	sadd.s32 s3, s2  }
0x8d: {  	s2 =	sadd.s32 s2, s17  }
0x8e: {  	[smem:$0x3FB7] =	sst s2  }
0x8f: {  	_ = 	snop  }
0x90: {  	s2 =	sld [smem:$0x3FD0];
	(tm) =	ssettm $0x1  }
0x91: {  	s18 =	sld [smem:$0x3FFB];
	_ =	sdelay $0x3  }
0x92: {  	_ =	strace s18  }
0x93: {  	s3 =	sld [smem:$0x3FFC];
	_ =	sdelay $0x3  }
0x94: {  	_ =	strace s3  }
0x95: {  	s3 =	sld [smem:$0x3FFD];
	_ =	sdelay $0x3  }
0x96: {  	_ =	strace s3  }
0x97: {  	_ =	strace $0x8FFFFFFF  }
0x98: {  	s19 =	sld [smem:$0x3FDB];
	_ =	sdelay $0x1  }
0x99: {  	s4 =	simm.s32 $_scs_section_size  }
0x9a: {  	s5 =	simm.s32 $_size__tile_overlayer_lowered;
	s6 =	simm.s32 $_tile_overlayer_lowered  }
0x9b: {  	s22 =	simm.s32 $0x1BFF;
	s21 =	sshll.u32 s6, $0x1;
	s3 =	sadd.s32 s4, s19  }
0x9c: {  	s7 =	simm.s32 $0x0;
	s20 =	sshll.u32 s5, $0x1;
	s5 =	sadd.s32 s21, s3  }
0x9d: {  	[timem:s7], [sflag:s22] =	dma.local [hbm:s5], s20  }
0x9e: {  	_ =	swait.ge [sflag:s22], s20  }
0x9f: {  	s4 =	ssub.s32 $0x0, s20;
	[sflag:s22] =	ssyncset.done $0x0  }
0xa0: {  	[sflag:s22] =	ssyncadd.s32 s4;
	_ =	sdelay $0x1  }
0xa1: {  	s23 =	simm.s32 $0x1B8B  }
0xa2: {  	_ =	swait.ge [sflag:s23], $0x1  }
0xa3: {  	[sflag:s23] =	ssyncset.done $0x0  }
0xa4: {  	s25 =	simm.s32 $0x1B8E;
	s24 =	sld [smem:$0x3FFE];
	[sflag:s23] =	ssyncadd.s32 $0xFFFFFFFF  }
0xa5: {  	s26 =	simm.s32 $execute0_lowered;
	[smem:$0x3FD2] =	sst s25  }
0xa6: {  	s5 =	sshll.u32 s26, $0x1;
	_ =	strace $0x80000046;
	[dreg:$0x1] =	wrdreg $0xFFFFFFFF  }
0xa7: {  	s28 =	simm.s32 $_size_execute0_lowered;
	s3 =	sadd.s32 s3, s5;
	[dreg:$0x0] =	wrdreg $0x0  }
0xa8: {  	s5 =	sshll.u32 s28, $0x1;
	[dreg:$0x2] =	wrdreg s3  }
0xa9: {  	[dreg:$0x3] =	wrdreg s5  }
0xaa: {  	[dreg:$0x4] =	wrdreg $0xC0  }
0xab: {  	_ =	task [dreg:s7], $0x5FFFF  }
0xac: {  	[dreg:$0x1] =	wrdreg $0xFFFFFFFF  }
0xad: {  	[dreg:$0x0] =	wrdreg $0x60  }
0xae: {  	[dreg:$0x2] =	wrdreg s2  }
0xaf: {  	[dreg:$0x3] =	wrdreg s24  }
0xb0: {  	[dreg:$0x4] =	wrdreg $0x9  }
0xb1: {  	_ =	task.clear_ibuf [dreg:s7], $0x5FFFF;
	_ =	strace $0x90000046  }
0xb2: {  	s29 =	simm.s32 $0x9;
	_ =	strace $0x80000048  }
0xb3: {  	_ =	swait.ge [sflag:s29], $0x1  }
0xb4: {  	[sflag:s29] =	ssyncadd.s32 $0xFFFFFFFF  }
0xb5: {  	_ =	strace $0x90000048  }
0xb6: {  	_ =	sfence  }
0xb7: {  	s30 =	sld [smem:$0x0];
	_ =	sdelay $0x2  }
0xb8: {  	s31 =	sshll.u32 s1, $0xD;
	s1 =	sshrl.u32 s1, $0x2  }
0xb9: {  	s3 =	sand.u32 $0x4000, s31;
	s1 =	sadd.s32 s1, s30  }
0xba: {  	s0 =	sor.u32 s3, s0;
	s1 =	sshll.u32 s1, $0x11  }
0xbb: {  	s0 =	sor.u32 s1, s0  }
0xbc: {  	s0 =	sadd.s32 $0x8F2B, s0  }
0xbd: {  	[sflag:s0] =	ssyncadd.remote.s32 $0x1  }
0xbe: {  	_ =	sfence.sel $0xFFFF  }
0xbf: {  	[dreg:$0x0] =	wrdreg $0xFFFFFFFF;
	(pc) =	sbr.abs _section_cstart, $3  }
0xc0: {  	[dreg:$0x1] =	wrdreg $0xFFFFFFFF  }
0xc1: {  	_ =	task.clear_ibuf [dreg:s7], $0x2FFFF;
	_ =	strace $0x9FFFFFFF  }
0xc2: {  	(tm) =	ssettm $0x7FFFFFFF  }
0xc3: {  	_ =	shalt  }
tec
execute0_lowered:
.L_overlay_start_1:
0x0: {  	(tag) =	ssettag $0x1  }
0x1: {  	s4 =	rddreg [dreg:$0x0]  }
0x2: {  	s5 =	rddreg [dreg:$0x1]  }
0x3: {  	s0 =	rddreg [dreg:$0x2]  }
0x4: {  	s2 =	simm.s32 $0x0;
	s3 =	srdreg.scid;
	s1 =	stileid.u32  }
0x5: {  	s10 =	simm.s32 $0x20000;
	s11 =	simm.s32 $0x4C00;
	s12 =	simm.s32 $0x0  }
0x6: {  	[smem:$0x7FF] =	sst s2;
	s3 =	sand.u32 $0x1, s3;
	s6 =	sshll.u32 s1, $0x1  }
0x7: {  	_ =	strace $0x80000047;
	s6 =	sor.u32 s3, s6;
	s7 =	ssub.s32 $0x2, s3  }
0x8: {  	s3 =	sadd.s32 $0x1C00, s5;
	s8 =	sshll.u32 s6, $0x9;
	s9 =	sshrl.u32 s7, $0x1  }
0x9: {  	s6 =	sshll.u32 s6, $0x8;
	s5 =	sadd.s32 s8, s5;
	s7 =	ssub.s32 s7, s9  }
0xa: {  	s4 =	sadd.s32 s4, s6;
	s8 =	simm.s32 $0x800;
	s9 =	simm.s32 $0x1000  }
0xb: {  	s5 =	sadd.s32 $0x2600, s5;
	s6 =	smax.u32 s7, $0x1;
	s7 =	simm.s32 $0x1  }
.LBB2_1:
0xc: {  	[tilespmem:s2], [sflag:$0x1] =	stream.linear.gather [hbm4b:s4+s2], $0x600, $0x38;
	[tilespmem:$0xBC00] =	vst v63  }
0xd: {  	_ =	swait.ge [sflag:s7], $0x600  }
0xe: {  	[sflag:s7] =	ssyncset.done $0x0  }
0xf: {  	[sflag:s7] =	ssyncadd.s32 $0xFFFFFA00  }
0x10: {  	[tilespmem:s8], [sflag:$0x1] =	stream.linear.gather [hbm4b:s3+s2], $0x4400, $0x38;
	[tilespmem:$0xBC00] =	vst v63  }
0x11: {  	_ =	swait.ge [sflag:s7], $0x4400  }
0x12: {  	s13 =	simm.s32 $0x0;
	[sflag:s7] =	ssyncset.done $0x0  }
0x13: {  	s14 =	simm.s32 $0x0;
	s15 =	simm.s32 $0x0;
	[sflag:s7] =	ssyncadd.s32 $0xFFFFBC00  }
.LBB2_2:
0x14: {  	s16 =	sand.u32 $0x600, s15  }
0x15: {  	s18 =	sand.u32 $0x70, s13;
	s16 =	sshrl.u32 s16, $0x2  }
0x16: {  	s17 =	sor.u32 s18, s16  }
0x17: {  	v0 =	vld [tilespmem:s17+$0x0];
	_ =	sdelay $0x4  }
0x18: {  	v1 =	vshll.u32 v0, $0x4;
	_ =	sdelay $0x4  }
0x19: {  	v2 =	vld.idx.msk [tilespmem:v1+s8+$0x0], $0xffff  }
0x1a: {  	v3 =	vor.u32 $0x1, v1;
	_ =	sdelay $0x1  }
0x1b: {  	s30 =	sand.u32 $0xC00, s14  }
0x1c: {  	s16 =	sor.u32 s18, s30  }
0x1d: {  	[tilespmem:s16+$0x4C00] =	vst v2  }
0x1e: {  	v2 =	vld.idx.msk [tilespmem:v3+s8+$0x0], $0xffff  }
0x1f: {  	v19 =	vor.u32 $0x2, v1;
	_ =	sdelay $0x3  }
0x20: {  	[tilespmem:s16+$0x4C80] =	vst v2  }
0x21: {  	v2 =	vld.idx.msk [tilespmem:v19+s8+$0x0], $0xffff  }
0x22: {  	v20 =	vor.u32 $0x3, v1;
	_ =	sdelay $0x3  }
0x23: {  	[tilespmem:s16+$0x4D00] =	vst v2  }
0x24: {  	v2 =	vld.idx.msk [tilespmem:v20+s8+$0x0], $0xffff  }
0x25: {  	v21 =	vor.u32 $0x4, v1;
	_ =	sdelay $0x3  }
0x26: {  	[tilespmem:s16+$0x4D80] =	vst v2  }
0x27: {  	v2 =	vld.idx.msk [tilespmem:v21+s8+$0x0], $0xffff  }
0x28: {  	v22 =	vor.u32 $0x5, v1;
	_ =	sdelay $0x3  }
0x29: {  	[tilespmem:s16+$0x4E00] =	vst v2  }
0x2a: {  	v2 =	vld.idx.msk [tilespmem:v22+s8+$0x0], $0xffff  }
0x2b: {  	v23 =	vor.u32 $0x6, v1;
	_ =	sdelay $0x3  }
0x2c: {  	[tilespmem:s16+$0x4E80] =	vst v2  }
0x2d: {  	v2 =	vld.idx.msk [tilespmem:v23+s8+$0x0], $0xffff  }
0x2e: {  	v24 =	vor.u32 $0x7, v1;
	_ =	sdelay $0x3  }
0x2f: {  	[tilespmem:s16+$0x4F00] =	vst v2  }
0x30: {  	v2 =	vld.idx.msk [tilespmem:v24+s8+$0x0], $0xffff  }
0x31: {  	v25 =	vor.u32 $0x8, v1;
	_ =	sdelay $0x1  }
0x32: {  	s31 =	sor.u32 s14, s13  }
0x33: {  	s18 =	sor.u32 $0x380, s31  }
0x34: {  	[tilespmem:s18+$0x4C00] =	vst v2  }
0x35: {  	v2 =	vld.idx.msk [tilespmem:v25+s8+$0x0], $0xffff  }
0x36: {  	v26 =	vor.u32 $0x9, v1;
	_ =	sdelay $0x3  }
0x37: {  	[tilespmem:s16+$0x5C00] =	vst v2  }
0x38: {  	v2 =	vld.idx.msk [tilespmem:v26+s8+$0x0], $0xffff  }
0x39: {  	v27 =	vor.u32 $0xA, v1;
	_ =	sdelay $0x3  }
0x3a: {  	[tilespmem:s16+$0x5C80] =	vst v2  }
0x3b: {  	v2 =	vld.idx.msk [tilespmem:v27+s8+$0x0], $0xffff  }
0x3c: {  	v28 =	vor.u32 $0xB, v1;
	_ =	sdelay $0x3  }
0x3d: {  	[tilespmem:s16+$0x5D00] =	vst v2  }
0x3e: {  	v2 =	vld.idx.msk [tilespmem:v28+s8+$0x0], $0xffff  }
0x3f: {  	v29 =	vor.u32 $0xC, v1;
	_ =	sdelay $0x3  }
0x40: {  	[tilespmem:s16+$0x5D80] =	vst v2  }
0x41: {  	v2 =	vld.idx.msk [tilespmem:v29+s8+$0x0], $0xffff  }
0x42: {  	v30 =	vor.u32 $0xD, v1;
	_ =	sdelay $0x3  }
0x43: {  	[tilespmem:s16+$0x5E00] =	vst v2  }
0x44: {  	v2 =	vld.idx.msk [tilespmem:v30+s8+$0x0], $0xffff  }
0x45: {  	v31 =	vor.u32 $0xE, v1;
	_ =	sdelay $0x3  }
0x46: {  	[tilespmem:s16+$0x5E80] =	vst v2  }
0x47: {  	v2 =	vld.idx.msk [tilespmem:v31+s8+$0x0], $0xffff  }
0x48: {  	v1 =	vor.u32 $0xF, v1;
	_ =	sdelay $0x3  }
0x49: {  	[tilespmem:s16+$0x5F00] =	vst v2  }
0x4a: {  	v1 =	vld.idx.msk [tilespmem:v1+s8+$0x0], $0xffff  }
0x4b: {  	v0 =	vadd.s32 $0x4000, v0;
	_ =	sdelay $0x3  }
0x4c: {  	[tilespmem:s16+$0x5F80] =	vst v1  }
0x4d: {  	v0 =	vld.idx.msk [tilespmem:v0+s8+$0x0], $0xffff;
	_ =	sdelay $0x4  }
0x4e: {  	[tilespmem:s16+$0xAC00] =	vst v0  }
0x4f: {  	v0 =	vld [tilespmem:s17+$0x200];
	_ =	sdelay $0x4  }
0x50: {  	v32 =	vshll.u32 v0, $0x4  }
0x51: {  	v33 =	vadd.s32 $0x3E80, v32;
	_ =	sdelay $0x4  }
0x52: {  	v2 =	vld.idx.msk [tilespmem:v33+s8+$0x0], $0xffff  }
0x53: {  	v34 =	vadd.s32 $0x3E81, v32;
	_ =	sdelay $0x3  }
0x54: {  	[tilespmem:s16+$0x6C00] =	vst v2  }
0x55: {  	v2 =	vld.idx.msk [tilespmem:v34+s8+$0x0], $0xffff  }
0x56: {  	v35 =	vadd.s32 $0x3E82, v32;
	_ =	sdelay $0x3  }
0x57: {  	[tilespmem:s16+$0x6C80] =	vst v2  }
0x58: {  	v2 =	vld.idx.msk [tilespmem:v35+s8+$0x0], $0xffff  }
0x59: {  	v36 =	vadd.s32 $0x3E83, v32;
	_ =	sdelay $0x3  }
0x5a: {  	[tilespmem:s16+$0x6D00] =	vst v2  }
0x5b: {  	v2 =	vld.idx.msk [tilespmem:v36+s8+$0x0], $0xffff  }
0x5c: {  	v37 =	vadd.s32 $0x3E84, v32;
	_ =	sdelay $0x3  }
0x5d: {  	[tilespmem:s16+$0x6D80] =	vst v2  }
0x5e: {  	v2 =	vld.idx.msk [tilespmem:v37+s8+$0x0], $0xffff  }
0x5f: {  	v38 =	vadd.s32 $0x3E85, v32;
	_ =	sdelay $0x3  }
0x60: {  	[tilespmem:s16+$0x6E00] =	vst v2  }
0x61: {  	v2 =	vld.idx.msk [tilespmem:v38+s8+$0x0], $0xffff  }
0x62: {  	v39 =	vadd.s32 $0x3E86, v32;
	_ =	sdelay $0x3  }
0x63: {  	[tilespmem:s16+$0x6E80] =	vst v2  }
0x64: {  	v2 =	vld.idx.msk [tilespmem:v39+s8+$0x0], $0xffff  }
0x65: {  	v40 =	vadd.s32 $0x3E87, v32;
	_ =	sdelay $0x3  }
0x66: {  	[tilespmem:s16+$0x6F00] =	vst v2  }
0x67: {  	v2 =	vld.idx.msk [tilespmem:v40+s8+$0x0], $0xffff  }
0x68: {  	v41 =	vadd.s32 $0x3E88, v32;
	_ =	sdelay $0x3  }
0x69: {  	[tilespmem:s16+$0x6F80] =	vst v2  }
0x6a: {  	v2 =	vld.idx.msk [tilespmem:v41+s8+$0x0], $0xffff  }
0x6b: {  	v42 =	vadd.s32 $0x3E89, v32;
	_ =	sdelay $0x3  }
0x6c: {  	[tilespmem:s16+$0x7C00] =	vst v2  }
0x6d: {  	v2 =	vld.idx.msk [tilespmem:v42+s8+$0x0], $0xffff  }
0x6e: {  	v43 =	vadd.s32 $0x3E8A, v32;
	_ =	sdelay $0x3  }
0x6f: {  	[tilespmem:s16+$0x7C80] =	vst v2  }
0x70: {  	v2 =	vld.idx.msk [tilespmem:v43+s8+$0x0], $0xffff  }
0x71: {  	v44 =	vadd.s32 $0x3E8B, v32;
	_ =	sdelay $0x3  }
0x72: {  	[tilespmem:s16+$0x7D00] =	vst v2  }
0x73: {  	v2 =	vld.idx.msk [tilespmem:v44+s8+$0x0], $0xffff  }
0x74: {  	v45 =	vadd.s32 $0x3E8C, v32;
	_ =	sdelay $0x3  }
0x75: {  	[tilespmem:s16+$0x7D80] =	vst v2  }
0x76: {  	v2 =	vld.idx.msk [tilespmem:v45+s8+$0x0], $0xffff  }
0x77: {  	v46 =	vadd.s32 $0x3E8D, v32;
	_ =	sdelay $0x3  }
0x78: {  	[tilespmem:s16+$0x7E00] =	vst v2  }
0x79: {  	v2 =	vld.idx.msk [tilespmem:v46+s8+$0x0], $0xffff  }
0x7a: {  	v47 =	vadd.s32 $0x3E8E, v32;
	_ =	sdelay $0x3  }
0x7b: {  	[tilespmem:s16+$0x7E80] =	vst v2  }
0x7c: {  	v2 =	vld.idx.msk [tilespmem:v47+s8+$0x0], $0xffff  }
0x7d: {  	v1 =	vadd.s32 $0x3E8F, v32;
	_ =	sdelay $0x3  }
0x7e: {  	[tilespmem:s16+$0x7F00] =	vst v2  }
0x7f: {  	v1 =	vld.idx.msk [tilespmem:v1+s8+$0x0], $0xffff  }
0x80: {  	v0 =	vadd.s32 $0x43E8, v0;
	_ =	sdelay $0x3  }
0x81: {  	[tilespmem:s16+$0x7F80] =	vst v1  }
0x82: {  	v0 =	vld.idx.msk [tilespmem:v0+s8+$0x0], $0xffff;
	_ =	sdelay $0x4  }
0x83: {  	[tilespmem:s16+$0xAC80] =	vst v0  }
0x84: {  	v0 =	vld [tilespmem:s17+$0x400];
	_ =	sdelay $0x4  }
0x85: {  	v48 =	vshll.u32 v0, $0x4  }
0x86: {  	v49 =	vadd.s32 $0x3F00, v48;
	_ =	sdelay $0x4  }
0x87: {  	v2 =	vld.idx.msk [tilespmem:v49+s8+$0x0], $0xffff  }
0x88: {  	v50 =	vadd.s32 $0x3F01, v48;
	_ =	sdelay $0x3  }
0x89: {  	[tilespmem:s16+$0x8C00] =	vst v2  }
0x8a: {  	v2 =	vld.idx.msk [tilespmem:v50+s8+$0x0], $0xffff  }
0x8b: {  	v51 =	vadd.s32 $0x3F02, v48;
	_ =	sdelay $0x3  }
0x8c: {  	[tilespmem:s16+$0x8C80] =	vst v2  }
0x8d: {  	v2 =	vld.idx.msk [tilespmem:v51+s8+$0x0], $0xffff  }
0x8e: {  	v52 =	vadd.s32 $0x3F03, v48;
	_ =	sdelay $0x3  }
0x8f: {  	[tilespmem:s16+$0x8D00] =	vst v2  }
0x90: {  	v2 =	vld.idx.msk [tilespmem:v52+s8+$0x0], $0xffff  }
0x91: {  	v53 =	vadd.s32 $0x3F04, v48;
	_ =	sdelay $0x3  }
0x92: {  	[tilespmem:s16+$0x8D80] =	vst v2  }
0x93: {  	v2 =	vld.idx.msk [tilespmem:v53+s8+$0x0], $0xffff  }
0x94: {  	v54 =	vadd.s32 $0x3F05, v48;
	_ =	sdelay $0x3  }
0x95: {  	[tilespmem:s16+$0x8E00] =	vst v2  }
0x96: {  	v2 =	vld.idx.msk [tilespmem:v54+s8+$0x0], $0xffff  }
0x97: {  	v55 =	vadd.s32 $0x3F06, v48;
	_ =	sdelay $0x3  }
0x98: {  	[tilespmem:s16+$0x8E80] =	vst v2  }
0x99: {  	v2 =	vld.idx.msk [tilespmem:v55+s8+$0x0], $0xffff  }
0x9a: {  	v56 =	vadd.s32 $0x3F07, v48;
	_ =	sdelay $0x3  }
0x9b: {  	[tilespmem:s16+$0x8F00] =	vst v2  }
0x9c: {  	v2 =	vld.idx.msk [tilespmem:v56+s8+$0x0], $0xffff  }
0x9d: {  	v57 =	vadd.s32 $0x3F08, v48;
	_ =	sdelay $0x3  }
0x9e: {  	[tilespmem:s16+$0x8F80] =	vst v2  }
0x9f: {  	v2 =	vld.idx.msk [tilespmem:v57+s8+$0x0], $0xffff  }
0xa0: {  	v58 =	vadd.s32 $0x3F09, v48;
	_ =	sdelay $0x3  }
0xa1: {  	[tilespmem:s16+$0x9C00] =	vst v2  }
0xa2: {  	v2 =	vld.idx.msk [tilespmem:v58+s8+$0x0], $0xffff  }
0xa3: {  	v59 =	vadd.s32 $0x3F0A, v48;
	_ =	sdelay $0x3  }
0xa4: {  	[tilespmem:s16+$0x9C80] =	vst v2  }
0xa5: {  	v2 =	vld.idx.msk [tilespmem:v59+s8+$0x0], $0xffff  }
0xa6: {  	v60 =	vadd.s32 $0x3F0B, v48;
	_ =	sdelay $0x3  }
0xa7: {  	[tilespmem:s16+$0x9D00] =	vst v2  }
0xa8: {  	v2 =	vld.idx.msk [tilespmem:v60+s8+$0x0], $0xffff  }
0xa9: {  	v61 =	vadd.s32 $0x3F0C, v48;
	_ =	sdelay $0x3  }
0xaa: {  	[tilespmem:s16+$0x9D80] =	vst v2  }
0xab: {  	v2 =	vld.idx.msk [tilespmem:v61+s8+$0x0], $0xffff  }
0xac: {  	v62 =	vadd.s32 $0x3F0D, v48;
	_ =	sdelay $0x3  }
0xad: {  	[tilespmem:s16+$0x9E00] =	vst v2  }
0xae: {  	v2 =	vld.idx.msk [tilespmem:v62+s8+$0x0], $0xffff  }
0xaf: {  	v63 =	vadd.s32 $0x3F0E, v48;
	_ =	sdelay $0x3  }
0xb0: {  	[tilespmem:s16+$0x9E80] =	vst v2  }
0xb1: {  	v2 =	vld.idx.msk [tilespmem:v63+s8+$0x0], $0xffff  }
0xb2: {  	v1 =	vadd.s32 $0x3F0F, v48;
	_ =	sdelay $0x3  }
0xb3: {  	[tilespmem:s16+$0x9F00] =	vst v2  }
0xb4: {  	v1 =	vld.idx.msk [tilespmem:v1+s8+$0x0], $0xffff  }
0xb5: {  	v0 =	vadd.s32 $0x43F0, v0;
	_ =	sdelay $0x3  }
0xb6: {  	[tilespmem:s16+$0x9F80] =	vst v1  }
0xb7: {  	p0 =	sne.s32 s15, $0x7C0;
	v0 =	vld.idx.msk [tilespmem:v0+s8+$0x0], $0xffff  }
.Ltmp0:
0xb8: {  	_ = 	snop;
	(pc) =	sbr.rel @p0 .LBB2_2-.Ltmp0, $2  }
0xb9: {  	_ =	sdelay $0x2  }
0xba: {  	s14 =	sadd.s32 $0x80, s14;
	s13 =	sadd.s32 $0x10, s13;
	s15 =	sadd.s32 $0x40, s15;
	[tilespmem:s16+$0xAD00] =	vst v0  }
0xbb: {  	s12 =	sadd.s32 $0x1, s12  }
0xbc: {  	p0 =	sne.s32 s12, s6  }
.Ltmp1:
0xbd: {  	_ = 	snop;
	(pc) =	sbr.rel @p0 .LBB2_1-.Ltmp1, $4  }
0xbe: {  	[hbm4b:s5+s9] =	stream.strided.scatter [tilespmem:s11], [sflag:$0x1], $0x7000, s10, s9, $0x38;
	[tilespmem:$0xBC00] =	vst v63  }
0xbf: {  	_ =	swait.ge [sflag:s7], $0x7000  }
0xc0: {  	[sflag:s7] =	ssyncset.done $0x0  }
0xc1: {  	[sflag:s7] =	ssyncadd.s32 $0xFFFF9000  }
0xc2: {  	_ =	sfence.sel $0x180000  }
0xc3: {  	[bflag:$0x0] =	sbarrier.arrive $0xFFFF  }
0xc4: {  	p0 =	sne.s32 s1, $0x0;
	_ =	strace $0x90000047  }
0xc5: {  	s0 =	sadd.s32 @!p0 $0x100000, s0;
	[bflag:$0x2] =	sbarrier.arrive $0xFFFF  }
0xc6: {  	[sflag:s0] =	ssyncadd.tile.s32 @!p0 $0x1;
	_ =	shalt  }
.Lfunc_end2:
_tile_overlayer_lowered:
.L_overlay_start_2:
0xc7: {  	(tag) =	ssettag $0x2  }
0xc8: {  	s0 =	rddreg [dreg:$0x0];
	s2 =	stileid.u32  }
0xc9: {  	s1 =	rddreg [dreg:$0x1];
	p0 =	sne.s32 s2, $0x0  }
0xca: {  	s3 =	rddreg [dreg:$0x2];
	[bflag:$0x3] =	sbarrier.arrive $0xFFFF;
	s2 =	simm.s32 @!p0 $0x1C01  }
0xcb: {  	[timem:s3], [sflag:s2] =	dma.local @!p0 [hbm:s0], s1  }
0xcc: {  	s0 =	simm.s32 @!p0 $0x1  }
0xcd: {  	_ =	swait.ge @!p0 [sflag:s0], s1  }
0xce: {  	s1 =	ssub.s32 @!p0 $0x0, s1;
	[sflag:s0] =	ssyncset.done @!p0 $0x0  }
0xcf: {  	[sflag:s0] =	ssyncadd.s32 @!p0 s1  }
0xd0: {  	[bflag:$0x3] =	sbarrier.arrive $0xFFFF  }
0xd1: {  	_ =	shalt  }

</sc_bundles>
